<compile_context>
chip_gen: v7x
topology: tpu7x:2x2x1
jax: 0.10.2.dev20260603
libtpu: 0.0.44.dev20260713+nightly
codegen_flags: <defaults>
</compile_context>

<pallas_src>
import functools

import jax
import jax.numpy as jnp
from jax import lax
from jax.experimental import pallas as pl
from jax.experimental.pallas import tpu as pltpu
from jax.experimental.pallas import tpu_sc as plsc

NZ, NY, NX = 16, 256, 256
W_CONC = 1.0
W_WIND = 50.0
W_PCC = 1.0
W_PHYS = 0.1
TOPK_RATIO = 0.1
CONC_WEIGHT_SCALE = 10.0
DX, DY = 100.0, 100.0

NBINS = 2048
NWORK = 32
N_ELEMS = 4 * 1024 * 1024
PER_WORK = N_ELEMS // NWORK
CROWS = 32
NCHUNK = 128 // CROWS


def _k1_body(p_ref, t_ref, w_ref, part_ref):
    p = p_ref[0]
    t = t_ref[0]
    d = p - t
    pix = d * d
    sp = jnp.log(1.0 + jnp.exp(-jnp.abs(t))) + jnp.maximum(t, 0.0)
    vw = 1.0 + CONC_WEIGHT_SCALE * sp
    aw = jnp.where(t > p, 3.0, 1.0)
    w = pix * vw * aw
    w_ref[0] = w
    scalars = [
        jnp.sum(p),
        jnp.sum(t),
        jnp.sum(p * t),
        jnp.sum(p * p),
        jnp.sum(t * t),
    ]
    lane = jax.lax.broadcasted_iota(jnp.int32, (1, 1, 128), 2)
    vec = jnp.zeros((1, 1, 128), jnp.float32)
    for m, val in enumerate(scalars):
        vec = vec + jnp.where(lane == m, val, 0.0)
    part_ref[...] = vec


def _k2_body(pw_ref, tw_ref, c_ref, t_ref, part_ref):
    pw = pw_ref[0]
    tw = tw_ref[0]
    c = c_ref[0]
    dw = pw - tw
    acc_w = jnp.sum(dw * dw)
    uv = jax.lax.dot(pw, t_ref[...])
    u = uv[:, :NX]
    v = uv[:, NX:]
    cr = jnp.concatenate([c[:, 1:], c[:, NX - 1:]], axis=1)
    cl = jnp.concatenate([c[:, :1], c[:, : NX - 1]], axis=1)
    dcdx = (cr - cl) * (1.0 / (2.0 * DX))
    cu = jnp.concatenate([c[1:, :], c[NY - 1:, :]], axis=0)
    cd = jnp.concatenate([c[:1, :], c[: NY - 1, :]], axis=0)
    dcdy = (cu - cd) * (1.0 / (2.0 * DY))
    r = u * dcdx + v * dcdy
    acc_p = jnp.sum(r * r)
    lane = jax.lax.broadcasted_iota(jnp.int32, (1, 1, 128), 2)
    vec = jnp.where(lane == 0, acc_w, 0.0) + jnp.where(lane == 1, acc_p, 0.0)
    part_ref[...] = vec


HSIZE = NBINS * 16


def _sc_mesh():
    return plsc.VectorSubcoreMesh(
        core_axis_name="c", subcore_axis_name="s", num_cores=2,
        num_subcores=16)


def _worker_id():
    return lax.axis_index("s") * 2 + lax.axis_index("c")


def _zero_hist(hist, nbins, zero):
    def zbody(i, carry):
        hist[pl.ds(i * 16, 16)] = zero
        return carry

    lax.fori_loop(0, nbins, zbody, 0, unroll=8)


def _hist_chunk(buf, histc, hists, masked, bsplat):
    lanes = lax.iota(jnp.int32, 16)
    ones = jnp.ones((16,), jnp.int32)

    def row(r, carry_r):
        @plsc.parallel_loop(0, 64, unroll=8)
        def body(i):
            v = buf[r, pl.ds(pl.multiple_of(i * 16, 16), 16)]
            bits = lax.bitcast_convert_type(v, jnp.int32)
            if masked:
                b1 = lax.shift_right_logical(bits, 20)
                msk = b1 == bsplat
                above = b1 > bsplat
                sub = lax.shift_right_logical(bits, 9) & (NBINS - 1)
                idx = sub * 16 + lanes
                plsc.addupdate_scatter(histc, [idx], ones, mask=msk)
                sidx = jnp.where(above, NBINS * 16 + lanes, idx)
                plsc.addupdate_scatter(hists, [sidx], v, mask=msk | above)
            else:
                b1 = lax.shift_right_logical(bits, 20)
                idx = b1 * 16 + lanes
                plsc.addupdate_scatter(histc, [idx], ones)

        return carry_r

    lax.fori_loop(0, CROWS, row, 0)


HSIZE2 = (NBINS + 1) * 16


def _sc_level_kernel(masked):
    if masked:
        def body(w_hbm, bs_hbm, cnt_out, sum_out, buf, histc, hists, bs_v):
            wid = _worker_id()
            _zero_hist(histc, NBINS, jnp.zeros((16,), jnp.int32))
            _zero_hist(hists, NBINS + 1, jnp.zeros((16,), jnp.float32))
            pltpu.sync_copy(bs_hbm, bs_v)
            bsplat = bs_v[...]
            b = wid // 8
            r_base = (wid % 8) * 128

            def chunk(c, carry):
                r0 = pl.multiple_of(r_base + c * CROWS, CROWS)
                pltpu.sync_copy(w_hbm.at[b, pl.ds(r0, CROWS)], buf)
                _hist_chunk(buf, histc, hists, True, bsplat)
                return carry

            lax.fori_loop(0, NCHUNK, chunk, 0)
            pltpu.sync_copy(histc, cnt_out.at[pl.ds(wid * HSIZE, HSIZE)])
            pltpu.sync_copy(hists, sum_out.at[pl.ds(wid * HSIZE2, HSIZE2)])

        out_type = [
            jax.ShapeDtypeStruct((NWORK * HSIZE,), jnp.int32),
            jax.ShapeDtypeStruct((NWORK * HSIZE2,), jnp.float32),
        ]
        scratch = [
            pltpu.VMEM((CROWS, 1024), jnp.float32),
            pltpu.VMEM((HSIZE,), jnp.int32),
            pltpu.VMEM((HSIZE2,), jnp.float32),
            pltpu.VMEM((16,), jnp.int32),
        ]
    else:
        def body(w_hbm, cnt_out, buf, histc):
            wid = _worker_id()
            _zero_hist(histc, NBINS, jnp.zeros((16,), jnp.int32))
            b = wid // 8
            r_base = (wid % 8) * 128

            def chunk(c, carry):
                r0 = pl.multiple_of(r_base + c * CROWS, CROWS)
                pltpu.sync_copy(w_hbm.at[b, pl.ds(r0, CROWS)], buf)
                _hist_chunk(buf, histc, None, False, None)
                return carry

            lax.fori_loop(0, NCHUNK, chunk, 0)
            pltpu.sync_copy(histc, cnt_out.at[pl.ds(wid * HSIZE, HSIZE)])

        out_type = [jax.ShapeDtypeStruct((NWORK * HSIZE,), jnp.int32)]
        scratch = [
            pltpu.VMEM((CROWS, 1024), jnp.float32),
            pltpu.VMEM((HSIZE,), jnp.int32),
        ]

    return pl.kernel(
        body,
        mesh=_sc_mesh(),
        out_type=out_type,
        scratch_types=scratch,
        compiler_params=pltpu.CompilerParams(needs_layout_passes=False),
    )


def _suffix(x):
    return jnp.cumsum(x[::-1])[::-1]


def kernel(pred_wind, true_wind, pred_conc, true_conc):
    B = pred_conc.shape[0]
    n_conc = pred_conc.shape[1]
    n_wind = pred_wind.shape[1]
    k = max(1, int(B * n_conc * TOPK_RATIO))
    pc = pred_conc.reshape(B, 1024, 1024)
    tc = true_conc.reshape(B, 1024, 1024)

    w, part1 = pl.pallas_call(
        _k1_body,
        grid=(B, 8),
        in_specs=[
            pl.BlockSpec((1, 128, 1024), lambda i, j: (i, j, 0)),
            pl.BlockSpec((1, 128, 1024), lambda i, j: (i, j, 0)),
        ],
        out_specs=[
            pl.BlockSpec((1, 128, 1024), lambda i, j: (i, j, 0)),
            pl.BlockSpec((1, 1, 128), lambda i, j: (i * 8 + j, 0, 0)),
        ],
        out_shape=[
            jax.ShapeDtypeStruct((B, 1024, 1024), jnp.float32),
            jax.ShapeDtypeStruct((B * 8, 1, 128), jnp.float32),
        ],
    )(pc, tc)

    pw = pred_wind.reshape(B, NZ * NY, 3 * NX)
    tw = true_wind.reshape(B, NZ * NY, 3 * NX)
    cz = pred_conc.reshape(B, NZ * NY, NX)
    trow = jax.lax.broadcasted_iota(jnp.int32, (3 * NX, 2 * NX), 0)
    tcol = jax.lax.broadcasted_iota(jnp.int32, (3 * NX, 2 * NX), 1)
    t_u = (trow == 3 * tcol)
    t_v = (trow == 3 * (tcol - NX) + 1) & (tcol >= NX)
    t_mat = (t_u | t_v).astype(jnp.float32)
    part2 = pl.pallas_call(
        _k2_body,
        grid=(B, NZ),
        in_specs=[
            pl.BlockSpec((1, NY, 3 * NX), lambda b, z: (b, z, 0)),
            pl.BlockSpec((1, NY, 3 * NX), lambda b, z: (b, z, 0)),
            pl.BlockSpec((1, NY, NX), lambda b, z: (b, z, 0)),
            pl.BlockSpec((3 * NX, 2 * NX), lambda b, z: (0, 0)),
        ],
        out_specs=pl.BlockSpec((1, 1, 128), lambda b, z: (b * NZ + z, 0, 0)),
        out_shape=jax.ShapeDtypeStruct((B * NZ, 1, 128), jnp.float32),
    )(pw, tw, cz, t_mat)

    p1 = part1[:, 0, :].reshape(B, 8, 128).sum(axis=1)
    n = jnp.float32(n_conc)
    s_p, s_t, s_pt, s_pp, s_tt = (p1[:, m] for m in range(5))
    num = s_pt - s_p * s_t / n
    var_p = jnp.maximum(s_pp - s_p * s_p / n, 0.0)
    var_t = jnp.maximum(s_tt - s_t * s_t / n, 0.0)
    den = jnp.sqrt(var_p) * jnp.sqrt(var_t) + 1e-08
    loss_pcc = 1.0 - jnp.mean(num / den)

    p2 = part2[:, 0, :].sum(axis=0)
    loss_w = p2[0] / jnp.float32(B * n_wind)
    loss_phys = p2[1] / jnp.float32(B * NZ * NY * NX)

    (cnt1,) = _sc_level_kernel(False)(w)
    c1 = cnt1.reshape(NWORK, NBINS, 16).sum(axis=(0, 2))
    suf1 = _suffix(c1)
    bins = jnp.arange(NBINS, dtype=jnp.int32)
    bstar = jnp.max(jnp.where(suf1 >= k, bins, 0))
    cnt_above = jnp.sum(jnp.where(bins > bstar, c1, 0))
    rem = k - cnt_above

    bsplat = jnp.full((16,), bstar, jnp.int32)
    cnt2, sum2 = _sc_level_kernel(True)(w, bsplat)
    c2 = cnt2.reshape(NWORK, NBINS, 16).sum(axis=(0, 2))
    s2full = sum2.reshape(NWORK, NBINS + 1, 16)
    s2 = s2full[:, :NBINS, :].sum(axis=(0, 2))
    sum_above = s2full[:, NBINS, :].sum()
    suf2 = _suffix(c2)
    sstar = jnp.max(jnp.where(suf2 >= rem, bins, 0))
    cnt_above2 = jnp.sum(jnp.where(bins > sstar, c2, 0))
    sum_above2 = jnp.sum(jnp.where(bins > sstar, s2, 0.0))
    rem2 = rem - cnt_above2
    t_bits = lax.shift_left(bstar, 20) | lax.shift_left(sstar, 9) | 256
    t_mid = lax.bitcast_convert_type(t_bits, jnp.float32)
    sum_topk = sum_above + sum_above2 + rem2.astype(jnp.float32) * t_mid
    loss_c = sum_topk / jnp.float32(k)

    total = (W_CONC * loss_c + W_WIND * loss_w + W_PCC * loss_pcc
             + W_PHYS * loss_phys)
    return (total, loss_c, loss_w, loss_pcc, loss_phys)

# --- scband reference (transcript-rebuilt; emitter-appended) ---
"""Pipeline reference for scband-physics-informed-grid-loss-18915035971959 (READ-ONLY COPY).

The authoritative reference and input builder live on the scoring server;
editing this copy changes nothing except your own understanding.
"""

import jax, jax.numpy as jnp
import numpy as np

# Grid dims taken from the torch code's global Config (chosen at production scale)
NZ, NY, NX = 16, 256, 256
W_CONC = 1.0
W_WIND = 50.0
W_PCC = 1.0
W_PHYS = 0.1
TOPK_RATIO = 0.1
CONC_WEIGHT_SCALE = 10.0
DX, DY = 100.0, 100.0


def setup_inputs(seed: int = 0) -> dict:
    key = jax.random.key(seed)
    k1, k2, k3, k4 = jax.random.split(key, 4)
    B = 4
    N = NZ * NY * NX
    pred_wind = jax.random.normal(k1, (B, N * 3), dtype=jnp.float32)
    true_wind = jax.random.normal(k2, (B, N * 3), dtype=jnp.float32)
    pred_conc = jax.random.normal(k3, (B, N), dtype=jnp.float32)
    true_conc = jax.random.normal(k4, (B, N), dtype=jnp.float32)
    return {"pred_wind": pred_wind, "true_wind": true_wind,
            "pred_conc": pred_conc, "true_conc": true_conc}


def _calc_pcc(pred, target):
    B = pred.shape[0]
    p_flat = pred.reshape(B, -1)
    t_flat = target.reshape(B, -1)
    p_c = p_flat - jnp.mean(p_flat, axis=1, keepdims=True)
    t_c = t_flat - jnp.mean(t_flat, axis=1, keepdims=True)
    num = jnp.sum(p_c * t_c, axis=1)
    den = jnp.linalg.norm(p_c, axis=1) * jnp.linalg.norm(t_c, axis=1) + 1e-08
    cos = num / den
    return 1.0 - jnp.mean(cos)


def _calc_advection_residual(pred_w_flat, pred_c_flat):
    B = pred_w_flat.shape[0]
    w = pred_w_flat.reshape(B, NZ, NY, NX, 3).transpose(0, 4, 1, 2, 3)
    c = pred_c_flat.reshape(B, NZ, NY, NX, 1).transpose(0, 4, 1, 2, 3)
    u = w[:, 0:1, ...]
    v = w[:, 1:2, ...]
    c_px = jnp.pad(c, ((0, 0), (0, 0), (0, 0), (0, 0), (1, 1)), mode='edge')
    c_py = jnp.pad(c, ((0, 0), (0, 0), (0, 0), (1, 1), (0, 0)), mode='edge')
    dc_dx = (c_px[..., 2:] - c_px[..., :-2]) / (2.0 * DX)
    dc_dy = (c_py[..., 2:, :] - c_py[..., :-2, :]) / (2.0 * DY)
    residual = u * dc_dx + v * dc_dy
    return jnp.mean(residual ** 2)


def reference(pred_wind, true_wind, pred_conc, true_conc):
    # weighted, asymmetric pixel loss on concentration
    pixel_loss = (pred_conc - true_conc) ** 2
    val_weights = 1.0 + CONC_WEIGHT_SCALE * jax.nn.softplus(true_conc)
    asym_weights = jnp.where(true_conc > pred_conc, 3.0, 1.0)
    weighted_loss = pixel_loss * val_weights * asym_weights
    flat = weighted_loss.reshape(-1)
    k = max(1, int(flat.shape[0] * TOPK_RATIO))
    topk_vals, _ = jax.lax.top_k(flat, k)
    loss_c = jnp.mean(topk_vals)
    # wind MSE
    loss_w = jnp.mean((pred_wind - true_wind) ** 2)
    # pattern correlation
    loss_pcc = _calc_pcc(pred_conc, true_conc)
    # physics (advection) residual
    loss_phys = _calc_advection_residual(pred_wind, pred_conc)
    total = W_CONC * loss_c + W_WIND * loss_w + W_PCC * loss_pcc + W_PHYS * loss_phys
    return (total, loss_c, loss_w, loss_pcc, loss_phys)

if __name__ == "__main__":
    import jax
    _d = setup_inputs()
    print(jax.jit(kernel)(*tuple(_d.values())))

</pallas_src>

<mosaic_0001>
#map = affine_map<(d0, d1) -> (0, 0, 0)>
#map1 = affine_map<(d0, d1) -> (0)>
module attributes {stable_mosaic.version = 14 : i64} {
  func.func @body(%arg0: i32, %arg1: i32, %arg2: memref<4x1024x1024xf32, #tpu.memory_space<hbm>>, %arg3: memref<16xi32, #tpu.memory_space<hbm>>, %arg4: memref<1048576xi32, #tpu.memory_space<hbm>>, %arg5: memref<1049088xf32, #tpu.memory_space<hbm>>, %arg6: memref<32x1024xf32, #tpu.memory_space<vmem>>, %arg7: memref<32768xi32, #tpu.memory_space<vmem>>, %arg8: memref<32784xf32, #tpu.memory_space<vmem>>, %arg9: memref<16xi32, #tpu.memory_space<vmem>>) attributes {dimension_semantics = [#tpu.dimension_semantics<core_parallel>, #tpu.dimension_semantics<subcore_parallel>], iteration_bounds = array<i64: 2, 16>, scalar_prefetch = 0 : i64, scratch_operands = 4 : i64, tpu.core_type = #tpu.core_type<sc_vector_subcore>, window_params = [{transform_indices = #map}, {transform_indices = #map1}, {transform_indices = #map1}, {transform_indices = #map1}]} {
    %mul3A = arith.constant 2 : i32
    %mul3A_0 = arith.muli %arg1, %mul3A : i32
    %add3A = arith.addi %mul3A_0, %arg0 : i32
    %broadcast_in_dim3A = arith.constant 0 : i32
    %broadcast_in_dim3A_1 = vector.broadcast %broadcast_in_dim3A : i32 to vector<16xi32>
    %scan3A = arith.constant 0 : i32
    %scan3A_2 = arith.constant 0 : i32
    %scan3A_3 = arith.constant 2048 : i32
    %scan3A_4 = arith.addi %scan3A_2, %scan3A_3 : i32
    %scan3A_5 = arith.constant 8 : i32
    scf.for %scan3A_63 = %scan3A_2 to %scan3A_4 step %scan3A_5  : i32 {
      %mul3A_64 = arith.constant 16 : i32
      %mul3A_65 = arith.muli %scan3A_63, %mul3A_64 : i32
      %swap3A_66 = arith.index_cast %mul3A_65 : i32 to index
      %swap3A_67 = tpu.vector_load %arg7[%swap3A_66] {strides = array<i32>} : memref<32768xi32, #tpu.memory_space<vmem>>, vector<16xi32>,
      tpu.vector_store %arg7[%swap3A_66], %broadcast_in_dim3A_1 {strides = array<i32>} : memref<32768xi32, #tpu.memory_space<vmem>>, vector<16xi32>,
      %scan3A_68 = arith.constant 1 : i32
      %scan3A_69 = arith.addi %scan3A_63, %scan3A_68 : i32
      %mul3A_70 = arith.constant 16 : i32
      %mul3A_71 = arith.muli %scan3A_69, %mul3A_70 : i32
      %swap3A_72 = arith.index_cast %mul3A_71 : i32 to index
      %swap3A_73 = tpu.vector_load %arg7[%swap3A_72] {strides = array<i32>} : memref<32768xi32, #tpu.memory_space<vmem>>, vector<16xi32>,
      tpu.vector_store %arg7[%swap3A_72], %broadcast_in_dim3A_1 {strides = array<i32>} : memref<32768xi32, #tpu.memory_space<vmem>>, vector<16xi32>,
      %scan3A_74 = arith.constant 2 : i32
      %scan3A_75 = arith.addi %scan3A_63, %scan3A_74 : i32
      %mul3A_76 = arith.constant 16 : i32
      %mul3A_77 = arith.muli %scan3A_75, %mul3A_76 : i32
      %swap3A_78 = arith.index_cast %mul3A_77 : i32 to index
      %swap3A_79 = tpu.vector_load %arg7[%swap3A_78] {strides = array<i32>} : memref<32768xi32, #tpu.memory_space<vmem>>, vector<16xi32>,
      tpu.vector_store %arg7[%swap3A_78], %broadcast_in_dim3A_1 {strides = array<i32>} : memref<32768xi32, #tpu.memory_space<vmem>>, vector<16xi32>,
      %scan3A_80 = arith.constant 3 : i32
      %scan3A_81 = arith.addi %scan3A_63, %scan3A_80 : i32
      %mul3A_82 = arith.constant 16 : i32
      %mul3A_83 = arith.muli %scan3A_81, %mul3A_82 : i32
      %swap3A_84 = arith.index_cast %mul3A_83 : i32 to index
      %swap3A_85 = tpu.vector_load %arg7[%swap3A_84] {strides = array<i32>} : memref<32768xi32, #tpu.memory_space<vmem>>, vector<16xi32>,
      tpu.vector_store %arg7[%swap3A_84], %broadcast_in_dim3A_1 {strides = array<i32>} : memref<32768xi32, #tpu.memory_space<vmem>>, vector<16xi32>,
      %scan3A_86 = arith.constant 4 : i32
      %scan3A_87 = arith.addi %scan3A_63, %scan3A_86 : i32
      %mul3A_88 = arith.constant 16 : i32
      %mul3A_89 = arith.muli %scan3A_87, %mul3A_88 : i32
      %swap3A_90 = arith.index_cast %mul3A_89 : i32 to index
      %swap3A_91 = tpu.vector_load %arg7[%swap3A_90] {strides = array<i32>} : memref<32768xi32, #tpu.memory_space<vmem>>, vector<16xi32>,
      tpu.vector_store %arg7[%swap3A_90], %broadcast_in_dim3A_1 {strides = array<i32>} : memref<32768xi32, #tpu.memory_space<vmem>>, vector<16xi32>,
      %scan3A_92 = arith.constant 5 : i32
      %scan3A_93 = arith.addi %scan3A_63, %scan3A_92 : i32
      %mul3A_94 = arith.constant 16 : i32
      %mul3A_95 = arith.muli %scan3A_93, %mul3A_94 : i32
      %swap3A_96 = arith.index_cast %mul3A_95 : i32 to index
      %swap3A_97 = tpu.vector_load %arg7[%swap3A_96] {strides = array<i32>} : memref<32768xi32, #tpu.memory_space<vmem>>, vector<16xi32>,
      tpu.vector_store %arg7[%swap3A_96], %broadcast_in_dim3A_1 {strides = array<i32>} : memref<32768xi32, #tpu.memory_space<vmem>>, vector<16xi32>,
      %scan3A_98 = arith.constant 6 : i32
      %scan3A_99 = arith.addi %scan3A_63, %scan3A_98 : i32
      %mul3A_100 = arith.constant 16 : i32
      %mul3A_101 = arith.muli %scan3A_99, %mul3A_100 : i32
      %swap3A_102 = arith.index_cast %mul3A_101 : i32 to index
      %swap3A_103 = tpu.vector_load %arg7[%swap3A_102] {strides = array<i32>} : memref<32768xi32, #tpu.memory_space<vmem>>, vector<16xi32>,
      tpu.vector_store %arg7[%swap3A_102], %broadcast_in_dim3A_1 {strides = array<i32>} : memref<32768xi32, #tpu.memory_space<vmem>>, vector<16xi32>,
      %scan3A_104 = arith.constant 7 : i32
      %scan3A_105 = arith.addi %scan3A_63, %scan3A_104 : i32
      %mul3A_106 = arith.constant 16 : i32
      %mul3A_107 = arith.muli %scan3A_105, %mul3A_106 : i32
      %swap3A_108 = arith.index_cast %mul3A_107 : i32 to index
      %swap3A_109 = tpu.vector_load %arg7[%swap3A_108] {strides = array<i32>} : memref<32768xi32, #tpu.memory_space<vmem>>, vector<16xi32>,
      tpu.vector_store %arg7[%swap3A_108], %broadcast_in_dim3A_1 {strides = array<i32>} : memref<32768xi32, #tpu.memory_space<vmem>>, vector<16xi32>,
    }
    %scan3A_6 = arith.constant 2048 : i32
    %broadcast_in_dim3A_7 = arith.constant 0.000000e+00 : f32
    %broadcast_in_dim3A_8 = vector.broadcast %broadcast_in_dim3A_7 : f32 to vector<16xf32>
    %scan3A_9 = arith.constant 0 : i32
    %scan3A_10 = arith.constant 0 : i32
    %scan3A_11 = arith.constant 2048 : i32
    %scan3A_12 = arith.addi %scan3A_10, %scan3A_11 : i32
    %scan3A_13 = arith.constant 8 : i32
    scf.for %scan3A_63 = %scan3A_10 to %scan3A_12 step %scan3A_13  : i32 {
      %mul3A_64 = arith.constant 16 : i32
      %mul3A_65 = arith.muli %scan3A_63, %mul3A_64 : i32
      %swap3A_66 = arith.index_cast %mul3A_65 : i32 to index
      %swap3A_67 = tpu.vector_load %arg8[%swap3A_66] {strides = array<i32>} : memref<32784xf32, #tpu.memory_space<vmem>>, vector<16xf32>,
      tpu.vector_store %arg8[%swap3A_66], %broadcast_in_dim3A_8 {strides = array<i32>} : memref<32784xf32, #tpu.memory_space<vmem>>, vector<16xf32>,
      %scan3A_68 = arith.constant 1 : i32
      %scan3A_69 = arith.addi %scan3A_63, %scan3A_68 : i32
      %mul3A_70 = arith.constant 16 : i32
      %mul3A_71 = arith.muli %scan3A_69, %mul3A_70 : i32
      %swap3A_72 = arith.index_cast %mul3A_71 : i32 to index
      %swap3A_73 = tpu.vector_load %arg8[%swap3A_72] {strides = array<i32>} : memref<32784xf32, #tpu.memory_space<vmem>>, vector<16xf32>,
      tpu.vector_store %arg8[%swap3A_72], %broadcast_in_dim3A_8 {strides = array<i32>} : memref<32784xf32, #tpu.memory_space<vmem>>, vector<16xf32>,
      %scan3A_74 = arith.constant 2 : i32
      %scan3A_75 = arith.addi %scan3A_63, %scan3A_74 : i32
      %mul3A_76 = arith.constant 16 : i32
      %mul3A_77 = arith.muli %scan3A_75, %mul3A_76 : i32
      %swap3A_78 = arith.index_cast %mul3A_77 : i32 to index
      %swap3A_79 = tpu.vector_load %arg8[%swap3A_78] {strides = array<i32>} : memref<32784xf32, #tpu.memory_space<vmem>>, vector<16xf32>,
      tpu.vector_store %arg8[%swap3A_78], %broadcast_in_dim3A_8 {strides = array<i32>} : memref<32784xf32, #tpu.memory_space<vmem>>, vector<16xf32>,
      %scan3A_80 = arith.constant 3 : i32
      %scan3A_81 = arith.addi %scan3A_63, %scan3A_80 : i32
      %mul3A_82 = arith.constant 16 : i32
      %mul3A_83 = arith.muli %scan3A_81, %mul3A_82 : i32
      %swap3A_84 = arith.index_cast %mul3A_83 : i32 to index
      %swap3A_85 = tpu.vector_load %arg8[%swap3A_84] {strides = array<i32>} : memref<32784xf32, #tpu.memory_space<vmem>>, vector<16xf32>,
      tpu.vector_store %arg8[%swap3A_84], %broadcast_in_dim3A_8 {strides = array<i32>} : memref<32784xf32, #tpu.memory_space<vmem>>, vector<16xf32>,
      %scan3A_86 = arith.constant 4 : i32
      %scan3A_87 = arith.addi %scan3A_63, %scan3A_86 : i32
      %mul3A_88 = arith.constant 16 : i32
      %mul3A_89 = arith.muli %scan3A_87, %mul3A_88 : i32
      %swap3A_90 = arith.index_cast %mul3A_89 : i32 to index
      %swap3A_91 = tpu.vector_load %arg8[%swap3A_90] {strides = array<i32>} : memref<32784xf32, #tpu.memory_space<vmem>>, vector<16xf32>,
      tpu.vector_store %arg8[%swap3A_90], %broadcast_in_dim3A_8 {strides = array<i32>} : memref<32784xf32, #tpu.memory_space<vmem>>, vector<16xf32>,
      %scan3A_92 = arith.constant 5 : i32
      %scan3A_93 = arith.addi %scan3A_63, %scan3A_92 : i32
      %mul3A_94 = arith.constant 16 : i32
      %mul3A_95 = arith.muli %scan3A_93, %mul3A_94 : i32
      %swap3A_96 = arith.index_cast %mul3A_95 : i32 to index
      %swap3A_97 = tpu.vector_load %arg8[%swap3A_96] {strides = array<i32>} : memref<32784xf32, #tpu.memory_space<vmem>>, vector<16xf32>,
      tpu.vector_store %arg8[%swap3A_96], %broadcast_in_dim3A_8 {strides = array<i32>} : memref<32784xf32, #tpu.memory_space<vmem>>, vector<16xf32>,
      %scan3A_98 = arith.constant 6 : i32
      %scan3A_99 = arith.addi %scan3A_63, %scan3A_98 : i32
      %mul3A_100 = arith.constant 16 : i32
      %mul3A_101 = arith.muli %scan3A_99, %mul3A_100 : i32
      %swap3A_102 = arith.index_cast %mul3A_101 : i32 to index
      %swap3A_103 = tpu.vector_load %arg8[%swap3A_102] {strides = array<i32>} : memref<32784xf32, #tpu.memory_space<vmem>>, vector<16xf32>,
      tpu.vector_store %arg8[%swap3A_102], %broadcast_in_dim3A_8 {strides = array<i32>} : memref<32784xf32, #tpu.memory_space<vmem>>, vector<16xf32>,
      %scan3A_104 = arith.constant 7 : i32
      %scan3A_105 = arith.addi %scan3A_63, %scan3A_104 : i32
      %mul3A_106 = arith.constant 16 : i32
      %mul3A_107 = arith.muli %scan3A_105, %mul3A_106 : i32
      %swap3A_108 = arith.index_cast %mul3A_107 : i32 to index
      %swap3A_109 = tpu.vector_load %arg8[%swap3A_108] {strides = array<i32>} : memref<32784xf32, #tpu.memory_space<vmem>>, vector<16xf32>,
      tpu.vector_store %arg8[%swap3A_108], %broadcast_in_dim3A_8 {strides = array<i32>} : memref<32784xf32, #tpu.memory_space<vmem>>, vector<16xf32>,
    }
    %scan3A_14 = arith.constant 2048 : i32
    %scan3A_15 = arith.addi %scan3A_10, %scan3A_14 : i32
    %mul3A_16 = arith.constant 16 : i32
    %mul3A_17 = arith.muli %scan3A_15, %mul3A_16 : i32
    %swap3A = arith.index_cast %mul3A_17 : i32 to index
    %swap3A_18 = tpu.vector_load %arg8[%swap3A] {strides = array<i32>} : memref<32784xf32, #tpu.memory_space<vmem>>, vector<16xf32>,
    tpu.vector_store %arg8[%swap3A], %broadcast_in_dim3A_8 {strides = array<i32>} : memref<32784xf32, #tpu.memory_space<vmem>>, vector<16xf32>,
    %scan3A_19 = arith.constant 2049 : i32
    "tpu.region"() ({
      %run_scoped3A = tpu.sem_alloc : memref<!tpu.dma_semaphore, #tpu.memory_space<semaphore_mem>>
      tpu.enqueue_dma source(%arg3 : memref<16xi32, #tpu.memory_space<hbm>>) target(%arg9 : memref<16xi32, #tpu.memory_space<vmem>>) target_semaphore(%run_scoped3A : memref<!tpu.dma_semaphore, #tpu.memory_space<semaphore_mem>>)
      tpu.wait_dma2 semaphore(%run_scoped3A : memref<!tpu.dma_semaphore, #tpu.memory_space<semaphore_mem>>) src(%arg3 : memref<16xi32, #tpu.memory_space<hbm>>) dst(%arg9 : memref<16xi32, #tpu.memory_space<vmem>>)
      tpu.yield
    }) : () -> ()
    %get3A = arith.constant 0 : index
    %get3A_20 = tpu.vector_load %arg9[%get3A] {strides = array<i32>} : memref<16xi32, #tpu.memory_space<vmem>>, vector<16xi32>,
    %jit3A = arith.constant 8 : i32
    %div3A = arith.divsi %add3A, %jit3A : i32
    %sign3A = arith.constant 0 : i32
    %sign3A_21 = arith.cmpi sgt, %add3A, %sign3A : i32
    %sign3A_22 = arith.extui %sign3A_21 : i1 to i32
    %sign3A_23 = arith.constant 0 : i32
    %sign3A_24 = arith.cmpi slt, %add3A, %sign3A_23 : i32
    %sign3A_25 = arith.extui %sign3A_24 : i1 to i32
    %sign3A_26 = arith.subi %sign3A_22, %sign3A_25 : i32
    %sign3A_27 = arith.constant 0 : i32
    %sign3A_28 = arith.cmpi sgt, %jit3A, %sign3A_27 : i32
    %sign3A_29 = arith.extui %sign3A_28 : i1 to i32
    %sign3A_30 = arith.constant 0 : i32
    %sign3A_31 = arith.cmpi slt, %jit3A, %sign3A_30 : i32
    %sign3A_32 = arith.extui %sign3A_31 : i1 to i32
    %sign3A_33 = arith.subi %sign3A_29, %sign3A_32 : i32
    %ne3A = arith.cmpi ne, %sign3A_26, %sign3A_33 : i32
    %rem3A = arith.remsi %add3A, %jit3A : i32
    %ne3A_34 = arith.constant 0 : i32
    %ne3A_35 = arith.cmpi ne, %rem3A, %ne3A_34 : i32
    %and3A = arith.andi %ne3A, %ne3A_35 : i1
    %sub3A = arith.constant 1 : i32
    %sub3A_36 = arith.subi %div3A, %sub3A : i32
    %select_n3A = arith.select %and3A, %sub3A_36, %div3A : i32
    %jit3A_37 = arith.constant 8 : i32
    %eq3A = arith.constant 0 : i32
    %eq3A_38 = arith.cmpi eq, %jit3A_37, %eq3A : i32
    %jit3A_39 = arith.constant 1 : i32
    %select_n3A_40 = arith.select %eq3A_38, %jit3A_39, %jit3A_37 : i32
    %rem3A_41 = arith.remsi %add3A, %select_n3A_40 : i32
    %ne3A_42 = arith.constant 0 : i32
    %ne3A_43 = arith.cmpi ne, %rem3A_41, %ne3A_42 : i32
    %lt3A = arith.constant 0 : i32
    %lt3A_44 = arith.cmpi slt, %rem3A_41, %lt3A : i32
    %lt3A_45 = arith.constant 0 : i32
    %lt3A_46 = arith.cmpi slt, %select_n3A_40, %lt3A_45 : i32
    %ne3A_47 = arith.xori %lt3A_44, %lt3A_46 : i1
    %and3A_48 = arith.andi %ne3A_47, %ne3A_43 : i1
    %add3A_49 = arith.addi %rem3A_41, %select_n3A_40 : i32
    %select_n3A_50 = arith.select %and3A_48, %add3A_49, %rem3A_41 : i32
    %mul3A_51 = arith.constant 128 : i32
    %mul3A_52 = arith.muli %select_n3A_50, %mul3A_51 : i32
    %scan3A_53 = arith.constant 0 : i32
    %scan3A_54 = arith.constant 0 : i32
    %scan3A_55 = arith.constant 4 : i32
    %scan3A_56 = arith.addi %scan3A_54, %scan3A_55 : i32
    %scan3A_57 = arith.constant 1 : i32
    scf.for %scan3A_63 = %scan3A_54 to %scan3A_56 step %scan3A_57  : i32 {
      %mul3A_64 = arith.constant 32 : i32
      %mul3A_65 = arith.muli %scan3A_63, %mul3A_64 : i32
      %add3A_66 = arith.addi %mul3A_52, %mul3A_65 : i32
      %multiple_of3A = tpu.assume_multiple %add3A_66, 32 : i32
      "tpu.region"() ({
        %run_scoped3A = tpu.sem_alloc : memref<!tpu.dma_semaphore, #tpu.memory_space<semaphore_mem>>
        %dma_start3A = arith.constant 0 : i32
        %dma_start3A_75 = tpu.memref_slice %arg2[%select_n3A, %multiple_of3A, %dma_start3A] : memref<4x1024x1024xf32, #tpu.memory_space<hbm>> -> memref<1x32x1024xf32, #tpu.memory_space<hbm>>
        %dma_start3A_76 = tpu.memref_squeeze %dma_start3A_75 : memref<1x32x1024xf32, #tpu.memory_space<hbm>> -> memref<32x1024xf32, #tpu.memory_space<hbm>>
        %dma_start3A_77 = arith.constant 0 : i32
        %dma_start3A_78 = tpu.memref_slice %arg2[%select_n3A, %multiple_of3A, %dma_start3A_77] : memref<4x1024x1024xf32, #tpu.memory_space<hbm>> -> memref<1x32x1024xf32, #tpu.memory_space<hbm>>
        %dma_start3A_79 = tpu.memref_squeeze %dma_start3A_78 : memref<1x32x1024xf32, #tpu.memory_space<hbm>> -> memref<32x1024xf32, #tpu.memory_space<hbm>>
        tpu.enqueue_dma source(%dma_start3A_79 : memref<32x1024xf32, #tpu.memory_space<hbm>>) target(%arg6 : memref<32x1024xf32, #tpu.memory_space<vmem>>) target_semaphore(%run_scoped3A : memref<!tpu.dma_semaphore, #tpu.memory_space<semaphore_mem>>)
        %dma_wait3A = arith.constant 0 : i32
        %dma_wait3A_80 = tpu.memref_slice %arg2[%select_n3A, %multiple_of3A, %dma_wait3A] : memref<4x1024x1024xf32, #tpu.memory_space<hbm>> -> memref<1x32x1024xf32, #tpu.memory_space<hbm>>
        %dma_wait3A_81 = tpu.memref_squeeze %dma_wait3A_80 : memref<1x32x1024xf32, #tpu.memory_space<hbm>> -> memref<32x1024xf32, #tpu.memory_space<hbm>>
        %dma_wait3A_82 = arith.constant 0 : i32
        %dma_wait3A_83 = tpu.memref_slice %arg2[%select_n3A, %multiple_of3A, %dma_wait3A_82] : memref<4x1024x1024xf32, #tpu.memory_space<hbm>> -> memref<1x32x1024xf32, #tpu.memory_space<hbm>>
        %dma_wait3A_84 = tpu.memref_squeeze %dma_wait3A_83 : memref<1x32x1024xf32, #tpu.memory_space<hbm>> -> memref<32x1024xf32, #tpu.memory_space<hbm>>
        tpu.wait_dma2 semaphore(%run_scoped3A : memref<!tpu.dma_semaphore, #tpu.memory_space<semaphore_mem>>) src(%dma_wait3A_84 : memref<32x1024xf32, #tpu.memory_space<hbm>>) dst(%arg6 : memref<32x1024xf32, #tpu.memory_space<vmem>>)
        tpu.yield
      }) : () -> ()
      %iota3A = tpu.iota {dimensions = array<i32: 0>} : vector<16xi32>
      %broadcast_in_dim3A_67 = arith.constant 1 : i32
      %broadcast_in_dim3A_68 = vector.broadcast %broadcast_in_dim3A_67 : i32 to vector<16xi32>
      %scan3A_69 = arith.constant 0 : i32
      %scan3A_70 = arith.constant 0 : i32
      %scan3A_71 = arith.constant 32 : i32
      %scan3A_72 = arith.addi %scan3A_70, %scan3A_71 : i32
      %scan3A_73 = arith.constant 1 : i32
      scf.for %scan3A_75 = %scan3A_70 to %scan3A_72 step %scan3A_73  : i32 {
        %parallel_loop3A = arith.constant 0 : i32
        %parallel_loop3A_76 = arith.constant 64 : i32
        %parallel_loop3A_77 = arith.constant 1 : i32
        scf.for %parallel_loop3A_78 = %parallel_loop3A to %parallel_loop3A_76 step %parallel_loop3A_77  : i32 {
          %parallel_loop3A_79 = arith.constant 16 : i32
          %parallel_loop3A_80 = arith.muli %parallel_loop3A_78, %parallel_loop3A_79 : i32
          %parallel_loop3A_81 = tpu.assume_multiple %parallel_loop3A_80, 16 : i32
          %parallel_loop3A_82 = arith.index_cast %scan3A_75 : i32 to index
          %parallel_loop3A_83 = arith.index_cast %parallel_loop3A_81 : i32 to index
          %parallel_loop3A_84 = tpu.vector_load %arg6[%parallel_loop3A_82, %parallel_loop3A_83] {strides = array<i32>} : memref<32x1024xf32, #tpu.memory_space<vmem>>, vector<16xf32>,
          %parallel_loop3A_85 = tpu.bitcast %parallel_loop3A_84 : vector<16xf32> -> vector<16xi32>
          %parallel_loop3A_86 = arith.constant 20 : i32
          %parallel_loop3A_87 = vector.broadcast %parallel_loop3A_86 : i32 to vector<16xi32>
          %parallel_loop3A_88 = arith.shrui %parallel_loop3A_85, %parallel_loop3A_87 : vector<16xi32>
          %parallel_loop3A_89 = arith.cmpi eq, %parallel_loop3A_88, %get3A_20 : vector<16xi32>
          %parallel_loop3A_90 = arith.cmpi sgt, %parallel_loop3A_88, %get3A_20 : vector<16xi32>
          %parallel_loop3A_91 = arith.constant 9 : i32
          %parallel_loop3A_92 = vector.broadcast %parallel_loop3A_91 : i32 to vector<16xi32>
          %parallel_loop3A_93 = arith.shrui %parallel_loop3A_85, %parallel_loop3A_92 : vector<16xi32>
          %parallel_loop3A_94 = arith.constant 2047 : i32
          %parallel_loop3A_95 = vector.broadcast %parallel_loop3A_94 : i32 to vector<16xi32>
          %parallel_loop3A_96 = arith.andi %parallel_loop3A_93, %parallel_loop3A_95 : vector<16xi32>
          %parallel_loop3A_97 = arith.constant 16 : i32
          %parallel_loop3A_98 = vector.broadcast %parallel_loop3A_97 : i32 to vector<16xi32>
          %parallel_loop3A_99 = arith.muli %parallel_loop3A_96, %parallel_loop3A_98 : vector<16xi32>
          %parallel_loop3A_100 = arith.addi %parallel_loop3A_99, %iota3A : vector<16xi32>
          tpu.vector_store_idx %arg7[%parallel_loop3A_100], %broadcast_in_dim3A_68 masked %parallel_loop3A_89 {add = true} : memref<32768xi32, #tpu.memory_space<vmem>>[vector<16xi32>], vector<16xi32>, vector<16xi1>
          %parallel_loop3A_101 = arith.constant 32768 : i32
          %parallel_loop3A_102 = vector.broadcast %parallel_loop3A_101 : i32 to vector<16xi32>
          %parallel_loop3A_103 = arith.addi %parallel_loop3A_102, %iota3A : vector<16xi32>
          %parallel_loop3A_104 = arith.select %parallel_loop3A_90, %parallel_loop3A_103, %parallel_loop3A_100 : vector<16xi1>, vector<16xi32>
          %parallel_loop3A_105 = arith.ori %parallel_loop3A_89, %parallel_loop3A_90 : vector<16xi1>
          tpu.vector_store_idx %arg8[%parallel_loop3A_104], %parallel_loop3A_84 masked %parallel_loop3A_105 {add = true} : memref<32784xf32, #tpu.memory_space<vmem>>[vector<16xi32>], vector<16xf32>, vector<16xi1>
        } {sc.loop_unroll_factor = 8 : i64, sc.parallel_access}
      }
      %scan3A_74 = arith.constant 32 : i32
    }
    %scan3A_58 = arith.constant 4 : i32
    %mul3A_59 = arith.constant 32768 : i32
    %mul3A_60 = arith.muli %add3A, %mul3A_59 : i32
    "tpu.region"() ({
      %run_scoped3A = tpu.sem_alloc : memref<!tpu.dma_semaphore, #tpu.memory_space<semaphore_mem>>
      %dma_start3A = tpu.memref_slice %arg4[%mul3A_60] : memref<1048576xi32, #tpu.memory_space<hbm>> -> memref<32768xi32, #tpu.memory_space<hbm>>
      %dma_start3A_63 = tpu.memref_slice %arg4[%mul3A_60] : memref<1048576xi32, #tpu.memory_space<hbm>> -> memref<32768xi32, #tpu.memory_space<hbm>>
      tpu.enqueue_dma source(%arg7 : memref<32768xi32, #tpu.memory_space<vmem>>) target(%dma_start3A_63 : memref<32768xi32, #tpu.memory_space<hbm>>) target_semaphore(%run_scoped3A : memref<!tpu.dma_semaphore, #tpu.memory_space<semaphore_mem>>)
      %dma_wait3A = tpu.memref_slice %arg4[%mul3A_60] : memref<1048576xi32, #tpu.memory_space<hbm>> -> memref<32768xi32, #tpu.memory_space<hbm>>
      %dma_wait3A_64 = tpu.memref_slice %arg4[%mul3A_60] : memref<1048576xi32, #tpu.memory_space<hbm>> -> memref<32768xi32, #tpu.memory_space<hbm>>
      tpu.wait_dma2 semaphore(%run_scoped3A : memref<!tpu.dma_semaphore, #tpu.memory_space<semaphore_mem>>) src(%arg7 : memref<32768xi32, #tpu.memory_space<vmem>>) dst(%dma_wait3A_64 : memref<32768xi32, #tpu.memory_space<hbm>>)
      tpu.yield
    }) : () -> ()
    %mul3A_61 = arith.constant 32784 : i32
    %mul3A_62 = arith.muli %add3A, %mul3A_61 : i32
    "tpu.region"() ({
      %run_scoped3A = tpu.sem_alloc : memref<!tpu.dma_semaphore, #tpu.memory_space<semaphore_mem>>
      %dma_start3A = tpu.memref_slice %arg5[%mul3A_62] : memref<1049088xf32, #tpu.memory_space<hbm>> -> memref<32784xf32, #tpu.memory_space<hbm>>
      %dma_start3A_63 = tpu.memref_slice %arg5[%mul3A_62] : memref<1049088xf32, #tpu.memory_space<hbm>> -> memref<32784xf32, #tpu.memory_space<hbm>>
      tpu.enqueue_dma source(%arg8 : memref<32784xf32, #tpu.memory_space<vmem>>) target(%dma_start3A_63 : memref<32784xf32, #tpu.memory_space<hbm>>) target_semaphore(%run_scoped3A : memref<!tpu.dma_semaphore, #tpu.memory_space<semaphore_mem>>)
      %dma_wait3A = tpu.memref_slice %arg5[%mul3A_62] : memref<1049088xf32, #tpu.memory_space<hbm>> -> memref<32784xf32, #tpu.memory_space<hbm>>
      %dma_wait3A_64 = tpu.memref_slice %arg5[%mul3A_62] : memref<1049088xf32, #tpu.memory_space<hbm>> -> memref<32784xf32, #tpu.memory_space<hbm>>
      tpu.wait_dma2 semaphore(%run_scoped3A : memref<!tpu.dma_semaphore, #tpu.memory_space<semaphore_mem>>) src(%arg8 : memref<32784xf32, #tpu.memory_space<vmem>>) dst(%dma_wait3A_64 : memref<32784xf32, #tpu.memory_space<hbm>>)
      tpu.yield
    }) : () -> ()
    return
  }
}

#map = affine_map<(d0, d1) -> (0, 0, 0)>
#map1 = affine_map<(d0, d1) -> (0)>
module attributes {stable_mosaic.version = 14 : i64} {
  func.func @body(%arg0: i32, %arg1: i32, %arg2: memref<4x1024x1024xf32, #tpu.memory_space<hbm>>, %arg3: memref<1048576xi32, #tpu.memory_space<hbm>>, %arg4: memref<32x1024xf32, #tpu.memory_space<vmem>>, %arg5: memref<32768xi32, #tpu.memory_space<vmem>>) attributes {dimension_semantics = [#tpu.dimension_semantics<core_parallel>, #tpu.dimension_semantics<subcore_parallel>], iteration_bounds = array<i64: 2, 16>, scalar_prefetch = 0 : i64, scratch_operands = 2 : i64, tpu.core_type = #tpu.core_type<sc_vector_subcore>, window_params = [{transform_indices = #map}, {transform_indices = #map1}]} {
    %mul3A = arith.constant 2 : i32
    %mul3A_0 = arith.muli %arg1, %mul3A : i32
    %add3A = arith.addi %mul3A_0, %arg0 : i32
    %broadcast_in_dim3A = arith.constant 0 : i32
    %broadcast_in_dim3A_1 = vector.broadcast %broadcast_in_dim3A : i32 to vector<16xi32>
    %scan3A = arith.constant 0 : i32
    %scan3A_2 = arith.constant 0 : i32
    %scan3A_3 = arith.constant 2048 : i32
    %scan3A_4 = arith.addi %scan3A_2, %scan3A_3 : i32
    %scan3A_5 = arith.constant 8 : i32
    scf.for %scan3A_47 = %scan3A_2 to %scan3A_4 step %scan3A_5  : i32 {
      %mul3A_48 = arith.constant 16 : i32
      %mul3A_49 = arith.muli %scan3A_47, %mul3A_48 : i32
      %swap3A = arith.index_cast %mul3A_49 : i32 to index
      %swap3A_50 = tpu.vector_load %arg5[%swap3A] {strides = array<i32>} : memref<32768xi32, #tpu.memory_space<vmem>>, vector<16xi32>,
      tpu.vector_store %arg5[%swap3A], %broadcast_in_dim3A_1 {strides = array<i32>} : memref<32768xi32, #tpu.memory_space<vmem>>, vector<16xi32>,
      %scan3A_51 = arith.constant 1 : i32
      %scan3A_52 = arith.addi %scan3A_47, %scan3A_51 : i32
      %mul3A_53 = arith.constant 16 : i32
      %mul3A_54 = arith.muli %scan3A_52, %mul3A_53 : i32
      %swap3A_55 = arith.index_cast %mul3A_54 : i32 to index
      %swap3A_56 = tpu.vector_load %arg5[%swap3A_55] {strides = array<i32>} : memref<32768xi32, #tpu.memory_space<vmem>>, vector<16xi32>,
      tpu.vector_store %arg5[%swap3A_55], %broadcast_in_dim3A_1 {strides = array<i32>} : memref<32768xi32, #tpu.memory_space<vmem>>, vector<16xi32>,
      %scan3A_57 = arith.constant 2 : i32
      %scan3A_58 = arith.addi %scan3A_47, %scan3A_57 : i32
      %mul3A_59 = arith.constant 16 : i32
      %mul3A_60 = arith.muli %scan3A_58, %mul3A_59 : i32
      %swap3A_61 = arith.index_cast %mul3A_60 : i32 to index
      %swap3A_62 = tpu.vector_load %arg5[%swap3A_61] {strides = array<i32>} : memref<32768xi32, #tpu.memory_space<vmem>>, vector<16xi32>,
      tpu.vector_store %arg5[%swap3A_61], %broadcast_in_dim3A_1 {strides = array<i32>} : memref<32768xi32, #tpu.memory_space<vmem>>, vector<16xi32>,
      %scan3A_63 = arith.constant 3 : i32
      %scan3A_64 = arith.addi %scan3A_47, %scan3A_63 : i32
      %mul3A_65 = arith.constant 16 : i32
      %mul3A_66 = arith.muli %scan3A_64, %mul3A_65 : i32
      %swap3A_67 = arith.index_cast %mul3A_66 : i32 to index
      %swap3A_68 = tpu.vector_load %arg5[%swap3A_67] {strides = array<i32>} : memref<32768xi32, #tpu.memory_space<vmem>>, vector<16xi32>,
      tpu.vector_store %arg5[%swap3A_67], %broadcast_in_dim3A_1 {strides = array<i32>} : memref<32768xi32, #tpu.memory_space<vmem>>, vector<16xi32>,
      %scan3A_69 = arith.constant 4 : i32
      %scan3A_70 = arith.addi %scan3A_47, %scan3A_69 : i32
      %mul3A_71 = arith.constant 16 : i32
      %mul3A_72 = arith.muli %scan3A_70, %mul3A_71 : i32
      %swap3A_73 = arith.index_cast %mul3A_72 : i32 to index
      %swap3A_74 = tpu.vector_load %arg5[%swap3A_73] {strides = array<i32>} : memref<32768xi32, #tpu.memory_space<vmem>>, vector<16xi32>,
      tpu.vector_store %arg5[%swap3A_73], %broadcast_in_dim3A_1 {strides = array<i32>} : memref<32768xi32, #tpu.memory_space<vmem>>, vector<16xi32>,
      %scan3A_75 = arith.constant 5 : i32
      %scan3A_76 = arith.addi %scan3A_47, %scan3A_75 : i32
      %mul3A_77 = arith.constant 16 : i32
      %mul3A_78 = arith.muli %scan3A_76, %mul3A_77 : i32
      %swap3A_79 = arith.index_cast %mul3A_78 : i32 to index
      %swap3A_80 = tpu.vector_load %arg5[%swap3A_79] {strides = array<i32>} : memref<32768xi32, #tpu.memory_space<vmem>>, vector<16xi32>,
      tpu.vector_store %arg5[%swap3A_79], %broadcast_in_dim3A_1 {strides = array<i32>} : memref<32768xi32, #tpu.memory_space<vmem>>, vector<16xi32>,
      %scan3A_81 = arith.constant 6 : i32
      %scan3A_82 = arith.addi %scan3A_47, %scan3A_81 : i32
      %mul3A_83 = arith.constant 16 : i32
      %mul3A_84 = arith.muli %scan3A_82, %mul3A_83 : i32
      %swap3A_85 = arith.index_cast %mul3A_84 : i32 to index
      %swap3A_86 = tpu.vector_load %arg5[%swap3A_85] {strides = array<i32>} : memref<32768xi32, #tpu.memory_space<vmem>>, vector<16xi32>,
      tpu.vector_store %arg5[%swap3A_85], %broadcast_in_dim3A_1 {strides = array<i32>} : memref<32768xi32, #tpu.memory_space<vmem>>, vector<16xi32>,
      %scan3A_87 = arith.constant 7 : i32
      %scan3A_88 = arith.addi %scan3A_47, %scan3A_87 : i32
      %mul3A_89 = arith.constant 16 : i32
      %mul3A_90 = arith.muli %scan3A_88, %mul3A_89 : i32
      %swap3A_91 = arith.index_cast %mul3A_90 : i32 to index
      %swap3A_92 = tpu.vector_load %arg5[%swap3A_91] {strides = array<i32>} : memref<32768xi32, #tpu.memory_space<vmem>>, vector<16xi32>,
      tpu.vector_store %arg5[%swap3A_91], %broadcast_in_dim3A_1 {strides = array<i32>} : memref<32768xi32, #tpu.memory_space<vmem>>, vector<16xi32>,
    }
    %scan3A_6 = arith.constant 2048 : i32
    %jit3A = arith.constant 8 : i32
    %div3A = arith.divsi %add3A, %jit3A : i32
    %sign3A = arith.constant 0 : i32
    %sign3A_7 = arith.cmpi sgt, %add3A, %sign3A : i32
    %sign3A_8 = arith.extui %sign3A_7 : i1 to i32
    %sign3A_9 = arith.constant 0 : i32
    %sign3A_10 = arith.cmpi slt, %add3A, %sign3A_9 : i32
    %sign3A_11 = arith.extui %sign3A_10 : i1 to i32
    %sign3A_12 = arith.subi %sign3A_8, %sign3A_11 : i32
    %sign3A_13 = arith.constant 0 : i32
    %sign3A_14 = arith.cmpi sgt, %jit3A, %sign3A_13 : i32
    %sign3A_15 = arith.extui %sign3A_14 : i1 to i32
    %sign3A_16 = arith.constant 0 : i32
    %sign3A_17 = arith.cmpi slt, %jit3A, %sign3A_16 : i32
    %sign3A_18 = arith.extui %sign3A_17 : i1 to i32
    %sign3A_19 = arith.subi %sign3A_15, %sign3A_18 : i32
    %ne3A = arith.cmpi ne, %sign3A_12, %sign3A_19 : i32
    %rem3A = arith.remsi %add3A, %jit3A : i32
    %ne3A_20 = arith.constant 0 : i32
    %ne3A_21 = arith.cmpi ne, %rem3A, %ne3A_20 : i32
    %and3A = arith.andi %ne3A, %ne3A_21 : i1
    %sub3A = arith.constant 1 : i32
    %sub3A_22 = arith.subi %div3A, %sub3A : i32
    %select_n3A = arith.select %and3A, %sub3A_22, %div3A : i32
    %jit3A_23 = arith.constant 8 : i32
    %eq3A = arith.constant 0 : i32
    %eq3A_24 = arith.cmpi eq, %jit3A_23, %eq3A : i32
    %jit3A_25 = arith.constant 1 : i32
    %select_n3A_26 = arith.select %eq3A_24, %jit3A_25, %jit3A_23 : i32
    %rem3A_27 = arith.remsi %add3A, %select_n3A_26 : i32
    %ne3A_28 = arith.constant 0 : i32
    %ne3A_29 = arith.cmpi ne, %rem3A_27, %ne3A_28 : i32
    %lt3A = arith.constant 0 : i32
    %lt3A_30 = arith.cmpi slt, %rem3A_27, %lt3A : i32
    %lt3A_31 = arith.constant 0 : i32
    %lt3A_32 = arith.cmpi slt, %select_n3A_26, %lt3A_31 : i32
    %ne3A_33 = arith.xori %lt3A_30, %lt3A_32 : i1
    %and3A_34 = arith.andi %ne3A_33, %ne3A_29 : i1
    %add3A_35 = arith.addi %rem3A_27, %select_n3A_26 : i32
    %select_n3A_36 = arith.select %and3A_34, %add3A_35, %rem3A_27 : i32
    %mul3A_37 = arith.constant 128 : i32
    %mul3A_38 = arith.muli %select_n3A_36, %mul3A_37 : i32
    %scan3A_39 = arith.constant 0 : i32
    %scan3A_40 = arith.constant 0 : i32
    %scan3A_41 = arith.constant 4 : i32
    %scan3A_42 = arith.addi %scan3A_40, %scan3A_41 : i32
    %scan3A_43 = arith.constant 1 : i32
    scf.for %scan3A_47 = %scan3A_40 to %scan3A_42 step %scan3A_43  : i32 {
      %mul3A_48 = arith.constant 32 : i32
      %mul3A_49 = arith.muli %scan3A_47, %mul3A_48 : i32
      %add3A_50 = arith.addi %mul3A_38, %mul3A_49 : i32
      %multiple_of3A = tpu.assume_multiple %add3A_50, 32 : i32
      "tpu.region"() ({
        %run_scoped3A = tpu.sem_alloc : memref<!tpu.dma_semaphore, #tpu.memory_space<semaphore_mem>>
        %dma_start3A = arith.constant 0 : i32
        %dma_start3A_59 = tpu.memref_slice %arg2[%select_n3A, %multiple_of3A, %dma_start3A] : memref<4x1024x1024xf32, #tpu.memory_space<hbm>> -> memref<1x32x1024xf32, #tpu.memory_space<hbm>>
        %dma_start3A_60 = tpu.memref_squeeze %dma_start3A_59 : memref<1x32x1024xf32, #tpu.memory_space<hbm>> -> memref<32x1024xf32, #tpu.memory_space<hbm>>
        %dma_start3A_61 = arith.constant 0 : i32
        %dma_start3A_62 = tpu.memref_slice %arg2[%select_n3A, %multiple_of3A, %dma_start3A_61] : memref<4x1024x1024xf32, #tpu.memory_space<hbm>> -> memref<1x32x1024xf32, #tpu.memory_space<hbm>>
        %dma_start3A_63 = tpu.memref_squeeze %dma_start3A_62 : memref<1x32x1024xf32, #tpu.memory_space<hbm>> -> memref<32x1024xf32, #tpu.memory_space<hbm>>
        tpu.enqueue_dma source(%dma_start3A_63 : memref<32x1024xf32, #tpu.memory_space<hbm>>) target(%arg4 : memref<32x1024xf32, #tpu.memory_space<vmem>>) target_semaphore(%run_scoped3A : memref<!tpu.dma_semaphore, #tpu.memory_space<semaphore_mem>>)
        %dma_wait3A = arith.constant 0 : i32
        %dma_wait3A_64 = tpu.memref_slice %arg2[%select_n3A, %multiple_of3A, %dma_wait3A] : memref<4x1024x1024xf32, #tpu.memory_space<hbm>> -> memref<1x32x1024xf32, #tpu.memory_space<hbm>>
        %dma_wait3A_65 = tpu.memref_squeeze %dma_wait3A_64 : memref<1x32x1024xf32, #tpu.memory_space<hbm>> -> memref<32x1024xf32, #tpu.memory_space<hbm>>
        %dma_wait3A_66 = arith.constant 0 : i32
        %dma_wait3A_67 = tpu.memref_slice %arg2[%select_n3A, %multiple_of3A, %dma_wait3A_66] : memref<4x1024x1024xf32, #tpu.memory_space<hbm>> -> memref<1x32x1024xf32, #tpu.memory_space<hbm>>
        %dma_wait3A_68 = tpu.memref_squeeze %dma_wait3A_67 : memref<1x32x1024xf32, #tpu.memory_space<hbm>> -> memref<32x1024xf32, #tpu.memory_space<hbm>>
        tpu.wait_dma2 semaphore(%run_scoped3A : memref<!tpu.dma_semaphore, #tpu.memory_space<semaphore_mem>>) src(%dma_wait3A_68 : memref<32x1024xf32, #tpu.memory_space<hbm>>) dst(%arg4 : memref<32x1024xf32, #tpu.memory_space<vmem>>)
        tpu.yield
      }) : () -> ()
      %iota3A = tpu.iota {dimensions = array<i32: 0>} : vector<16xi32>
      %broadcast_in_dim3A_51 = arith.constant 1 : i32
      %broadcast_in_dim3A_52 = vector.broadcast %broadcast_in_dim3A_51 : i32 to vector<16xi32>
      %scan3A_53 = arith.constant 0 : i32
      %scan3A_54 = arith.constant 0 : i32
      %scan3A_55 = arith.constant 32 : i32
      %scan3A_56 = arith.addi %scan3A_54, %scan3A_55 : i32
      %scan3A_57 = arith.constant 1 : i32
      scf.for %scan3A_59 = %scan3A_54 to %scan3A_56 step %scan3A_57  : i32 {
        %parallel_loop3A = arith.constant 0 : i32
        %parallel_loop3A_60 = arith.constant 64 : i32
        %parallel_loop3A_61 = arith.constant 1 : i32
        scf.for %parallel_loop3A_62 = %parallel_loop3A to %parallel_loop3A_60 step %parallel_loop3A_61  : i32 {
          %parallel_loop3A_63 = arith.constant 16 : i32
          %parallel_loop3A_64 = arith.muli %parallel_loop3A_62, %parallel_loop3A_63 : i32
          %parallel_loop3A_65 = tpu.assume_multiple %parallel_loop3A_64, 16 : i32
          %parallel_loop3A_66 = arith.index_cast %scan3A_59 : i32 to index
          %parallel_loop3A_67 = arith.index_cast %parallel_loop3A_65 : i32 to index
          %parallel_loop3A_68 = tpu.vector_load %arg4[%parallel_loop3A_66, %parallel_loop3A_67] {strides = array<i32>} : memref<32x1024xf32, #tpu.memory_space<vmem>>, vector<16xf32>,
          %parallel_loop3A_69 = tpu.bitcast %parallel_loop3A_68 : vector<16xf32> -> vector<16xi32>
          %parallel_loop3A_70 = arith.constant 20 : i32
          %parallel_loop3A_71 = vector.broadcast %parallel_loop3A_70 : i32 to vector<16xi32>
          %parallel_loop3A_72 = arith.shrui %parallel_loop3A_69, %parallel_loop3A_71 : vector<16xi32>
          %parallel_loop3A_73 = arith.constant 16 : i32
          %parallel_loop3A_74 = vector.broadcast %parallel_loop3A_73 : i32 to vector<16xi32>
          %parallel_loop3A_75 = arith.muli %parallel_loop3A_72, %parallel_loop3A_74 : vector<16xi32>
          %parallel_loop3A_76 = arith.addi %parallel_loop3A_75, %iota3A : vector<16xi32>
          tpu.vector_store_idx %arg5[%parallel_loop3A_76], %broadcast_in_dim3A_52 {add = true} : memref<32768xi32, #tpu.memory_space<vmem>>[vector<16xi32>], vector<16xi32>,
        } {sc.loop_unroll_factor = 8 : i64, sc.parallel_access}
      }
      %scan3A_58 = arith.constant 32 : i32
    }
    %scan3A_44 = arith.constant 4 : i32
    %mul3A_45 = arith.constant 32768 : i32
    %mul3A_46 = arith.muli %add3A, %mul3A_45 : i32
    "tpu.region"() ({
      %run_scoped3A = tpu.sem_alloc : memref<!tpu.dma_semaphore, #tpu.memory_space<semaphore_mem>>
      %dma_start3A = tpu.memref_slice %arg3[%mul3A_46] : memref<1048576xi32, #tpu.memory_space<hbm>> -> memref<32768xi32, #tpu.memory_space<hbm>>
      %dma_start3A_47 = tpu.memref_slice %arg3[%mul3A_46] : memref<1048576xi32, #tpu.memory_space<hbm>> -> memref<32768xi32, #tpu.memory_space<hbm>>
      tpu.enqueue_dma source(%arg5 : memref<32768xi32, #tpu.memory_space<vmem>>) target(%dma_start3A_47 : memref<32768xi32, #tpu.memory_space<hbm>>) target_semaphore(%run_scoped3A : memref<!tpu.dma_semaphore, #tpu.memory_space<semaphore_mem>>)
      %dma_wait3A = tpu.memref_slice %arg3[%mul3A_46] : memref<1048576xi32, #tpu.memory_space<hbm>> -> memref<32768xi32, #tpu.memory_space<hbm>>
      %dma_wait3A_48 = tpu.memref_slice %arg3[%mul3A_46] : memref<1048576xi32, #tpu.memory_space<hbm>> -> memref<32768xi32, #tpu.memory_space<hbm>>
      tpu.wait_dma2 semaphore(%run_scoped3A : memref<!tpu.dma_semaphore, #tpu.memory_space<semaphore_mem>>) src(%arg5 : memref<32768xi32, #tpu.memory_space<vmem>>) dst(%dma_wait3A_48 : memref<32768xi32, #tpu.memory_space<hbm>>)
      tpu.yield
    }) : () -> ()
    return
  }
}

module attributes {stable_mosaic.version = 14 : i64} {
  func.func @_k1_body(%arg0: i32, %arg1: i32, %arg2: memref<1x128x1024xf32, #tpu.memory_space<vmem>>, %arg3: memref<1x128x1024xf32, #tpu.memory_space<vmem>>, %arg4: memref<1x128x1024xf32, #tpu.memory_space<vmem>>, %arg5: memref<1x1x128xf32, #tpu.memory_space<vmem>>) attributes {dimension_semantics = [#tpu.dimension_semantics<arbitrary>, #tpu.dimension_semantics<arbitrary>], iteration_bounds = array<i64: 4, 8>, scalar_prefetch = 0 : i64, scratch_operands = 0 : i64, tpu.core_type = #tpu.core_type<tc>, window_params = [{transform_indices = @transform_0, window_bounds = array<i64: 1, 128, 1024>}, {transform_indices = @transform_1, window_bounds = array<i64: 1, 128, 1024>}, {transform_indices = @transform_2, window_bounds = array<i64: 1, 128, 1024>}, {transform_indices = @transform_3, window_bounds = array<i64: 1, 1, 128>}]} {
    %get3A = arith.constant 0 : index
    %get3A_0 = arith.constant 0 : index
    %get3A_1 = arith.constant 0 : index
    %get3A_2 = vector.load %arg2[%get3A, %get3A_0, %get3A_1] : memref<1x128x1024xf32, #tpu.memory_space<vmem>>, vector<1x128x1024xf32>
    %get3A_3 = vector.shape_cast %get3A_2 : vector<1x128x1024xf32> to vector<128x1024xf32>
    %get3A_4 = arith.constant 0 : index
    %get3A_5 = arith.constant 0 : index
    %get3A_6 = arith.constant 0 : index
    %get3A_7 = vector.load %arg3[%get3A_4, %get3A_5, %get3A_6] : memref<1x128x1024xf32, #tpu.memory_space<vmem>>, vector<1x128x1024xf32>
    %get3A_8 = vector.shape_cast %get3A_7 : vector<1x128x1024xf32> to vector<128x1024xf32>
    %sub3A = arith.subf %get3A_3, %get3A_8 : vector<128x1024xf32>
    %mul3A = arith.mulf %sub3A, %sub3A : vector<128x1024xf32>
    %abs3A = math.absf %get3A_8 : vector<128x1024xf32>
    %neg3A = arith.constant 0.000000e+00 : f32
    %neg3A_9 = vector.broadcast %neg3A : f32 to vector<128x1024xf32>
    %neg3A_10 = arith.subf %neg3A_9, %abs3A : vector<128x1024xf32>
    %exp3A = math.exp %neg3A_10 : vector<128x1024xf32>
    %add3A = arith.constant 1.000000e+00 : f32
    %add3A_11 = vector.broadcast %add3A : f32 to vector<128x1024xf32>
    %add3A_12 = arith.addf %add3A_11, %exp3A : vector<128x1024xf32>
    %log3A = math.log %add3A_12 : vector<128x1024xf32>
    %max3A = arith.constant 0.000000e+00 : f32
    %max3A_13 = vector.broadcast %max3A : f32 to vector<128x1024xf32>
    %max3A_14 = arith.maximumf %get3A_8, %max3A_13 : vector<128x1024xf32>
    %add3A_15 = arith.addf %log3A, %max3A_14 : vector<128x1024xf32>
    %mul3A_16 = arith.constant 1.000000e+01 : f32
    %mul3A_17 = vector.broadcast %mul3A_16 : f32 to vector<128x1024xf32>
    %mul3A_18 = arith.mulf %mul3A_17, %add3A_15 : vector<128x1024xf32>
    %add3A_19 = arith.constant 1.000000e+00 : f32
    %add3A_20 = vector.broadcast %add3A_19 : f32 to vector<128x1024xf32>
    %add3A_21 = arith.addf %add3A_20, %mul3A_18 : vector<128x1024xf32>
    %gt3A = arith.cmpf ogt, %get3A_8, %get3A_3 : vector<128x1024xf32>
    %jit3A = arith.constant 3.000000e+00 : f32
    %jit3A_22 = arith.constant 1.000000e+00 : f32
    %broadcast_in_dim3A = vector.broadcast %jit3A : f32 to vector<128x1024xf32>
    %broadcast_in_dim3A_23 = vector.broadcast %jit3A_22 : f32 to vector<128x1024xf32>
    %select_n3A = arith.select %gt3A, %broadcast_in_dim3A, %broadcast_in_dim3A_23 : vector<128x1024xi1>, vector<128x1024xf32>
    %mul3A_24 = arith.mulf %mul3A, %add3A_21 : vector<128x1024xf32>
    %mul3A_25 = arith.mulf %mul3A_24, %select_n3A : vector<128x1024xf32>
    %swap3A = arith.constant 0 : index
    %swap3A_26 = arith.constant 0 : index
    %swap3A_27 = arith.constant 0 : index
    %swap3A_28 = vector.load %arg4[%swap3A, %swap3A_26, %swap3A_27] : memref<1x128x1024xf32, #tpu.memory_space<vmem>>, vector<1x128x1024xf32>
    %swap3A_29 = vector.shape_cast %swap3A_28 : vector<1x128x1024xf32> to vector<128x1024xf32>
    %swap3A_30 = vector.shape_cast %mul3A_25 : vector<128x1024xf32> to vector<1x128x1024xf32>
    tpu.vector_store %arg4[%swap3A, %swap3A_26, %swap3A_27], %swap3A_30 {strides = array<i32>} : memref<1x128x1024xf32, #tpu.memory_space<vmem>>, vector<1x128x1024xf32>,
    %reduce_sum3A = vector.shape_cast %get3A_3 : vector<128x1024xf32> to vector<1x128x1024xf32>
    %reduce_sum3A_31 = arith.constant dense<0.000000e+00> : vector<1xf32>
    %reduce_sum3A_32 = vector.multi_reduction <add>, %reduce_sum3A, %reduce_sum3A_31 [1, 2] : vector<1x128x1024xf32> to vector<1xf32>
    %reduce_sum3A_33 = vector.shape_cast %reduce_sum3A_32 : vector<1xf32> to vector<1x1x1xf32>
    %reduce_sum3A_34 = vector.extract %reduce_sum3A_33[0, 0, 0] : f32 from vector<1x1x1xf32>
    %reduce_sum3A_35 = vector.shape_cast %get3A_8 : vector<128x1024xf32> to vector<1x128x1024xf32>
    %reduce_sum3A_36 = arith.constant dense<0.000000e+00> : vector<1xf32>
    %reduce_sum3A_37 = vector.multi_reduction <add>, %reduce_sum3A_35, %reduce_sum3A_36 [1, 2] : vector<1x128x1024xf32> to vector<1xf32>
    %reduce_sum3A_38 = vector.shape_cast %reduce_sum3A_37 : vector<1xf32> to vector<1x1x1xf32>
    %reduce_sum3A_39 = vector.extract %reduce_sum3A_38[0, 0, 0] : f32 from vector<1x1x1xf32>
    %mul3A_40 = arith.mulf %get3A_3, %get3A_8 : vector<128x1024xf32>
    %reduce_sum3A_41 = vector.shape_cast %mul3A_40 : vector<128x1024xf32> to vector<1x128x1024xf32>
    %reduce_sum3A_42 = arith.constant dense<0.000000e+00> : vector<1xf32>
    %reduce_sum3A_43 = vector.multi_reduction <add>, %reduce_sum3A_41, %reduce_sum3A_42 [1, 2] : vector<1x128x1024xf32> to vector<1xf32>
    %reduce_sum3A_44 = vector.shape_cast %reduce_sum3A_43 : vector<1xf32> to vector<1x1x1xf32>
    %reduce_sum3A_45 = vector.extract %reduce_sum3A_44[0, 0, 0] : f32 from vector<1x1x1xf32>
    %mul3A_46 = arith.mulf %get3A_3, %get3A_3 : vector<128x1024xf32>
    %reduce_sum3A_47 = vector.shape_cast %mul3A_46 : vector<128x1024xf32> to vector<1x128x1024xf32>
    %reduce_sum3A_48 = arith.constant dense<0.000000e+00> : vector<1xf32>
    %reduce_sum3A_49 = vector.multi_reduction <add>, %reduce_sum3A_47, %reduce_sum3A_48 [1, 2] : vector<1x128x1024xf32> to vector<1xf32>
    %reduce_sum3A_50 = vector.shape_cast %reduce_sum3A_49 : vector<1xf32> to vector<1x1x1xf32>
    %reduce_sum3A_51 = vector.extract %reduce_sum3A_50[0, 0, 0] : f32 from vector<1x1x1xf32>
    %mul3A_52 = arith.mulf %get3A_8, %get3A_8 : vector<128x1024xf32>
    %reduce_sum3A_53 = vector.shape_cast %mul3A_52 : vector<128x1024xf32> to vector<1x128x1024xf32>
    %reduce_sum3A_54 = arith.constant dense<0.000000e+00> : vector<1xf32>
    %reduce_sum3A_55 = vector.multi_reduction <add>, %reduce_sum3A_53, %reduce_sum3A_54 [1, 2] : vector<1x128x1024xf32> to vector<1xf32>
    %reduce_sum3A_56 = vector.shape_cast %reduce_sum3A_55 : vector<1xf32> to vector<1x1x1xf32>
    %reduce_sum3A_57 = vector.extract %reduce_sum3A_56[0, 0, 0] : f32 from vector<1x1x1xf32>
    %iota3A = tpu.iota {dimensions = array<i32: 2>} : vector<1x1x128xi32>
    %broadcast_in_dim3A_58 = arith.constant 0.000000e+00 : f32
    %broadcast_in_dim3A_59 = vector.broadcast %broadcast_in_dim3A_58 : f32 to vector<1x1x128xf32>
    %eq3A = arith.constant 0 : i32
    %eq3A_60 = vector.broadcast %eq3A : i32 to vector<1x1x128xi32>
    %eq3A_61 = arith.cmpi eq, %iota3A, %eq3A_60 : vector<1x1x128xi32>
    %jit3A_62 = arith.constant 0.000000e+00 : f32
    %broadcast_in_dim3A_63 = vector.broadcast %reduce_sum3A_34 : f32 to vector<1x1x128xf32>
    %broadcast_in_dim3A_64 = vector.broadcast %jit3A_62 : f32 to vector<1x1x128xf32>
    %select_n3A_65 = arith.select %eq3A_61, %broadcast_in_dim3A_63, %broadcast_in_dim3A_64 : vector<1x1x128xi1>, vector<1x1x128xf32>
    %add3A_66 = arith.addf %broadcast_in_dim3A_59, %select_n3A_65 : vector<1x1x128xf32>
    %eq3A_67 = arith.constant 1 : i32
    %eq3A_68 = vector.broadcast %eq3A_67 : i32 to vector<1x1x128xi32>
    %eq3A_69 = arith.cmpi eq, %iota3A, %eq3A_68 : vector<1x1x128xi32>
    %jit3A_70 = arith.constant 0.000000e+00 : f32
    %broadcast_in_dim3A_71 = vector.broadcast %reduce_sum3A_39 : f32 to vector<1x1x128xf32>
    %broadcast_in_dim3A_72 = vector.broadcast %jit3A_70 : f32 to vector<1x1x128xf32>
    %select_n3A_73 = arith.select %eq3A_69, %broadcast_in_dim3A_71, %broadcast_in_dim3A_72 : vector<1x1x128xi1>, vector<1x1x128xf32>
    %add3A_74 = arith.addf %add3A_66, %select_n3A_73 : vector<1x1x128xf32>
    %eq3A_75 = arith.constant 2 : i32
    %eq3A_76 = vector.broadcast %eq3A_75 : i32 to vector<1x1x128xi32>
    %eq3A_77 = arith.cmpi eq, %iota3A, %eq3A_76 : vector<1x1x128xi32>
    %jit3A_78 = arith.constant 0.000000e+00 : f32
    %broadcast_in_dim3A_79 = vector.broadcast %reduce_sum3A_45 : f32 to vector<1x1x128xf32>
    %broadcast_in_dim3A_80 = vector.broadcast %jit3A_78 : f32 to vector<1x1x128xf32>
    %select_n3A_81 = arith.select %eq3A_77, %broadcast_in_dim3A_79, %broadcast_in_dim3A_80 : vector<1x1x128xi1>, vector<1x1x128xf32>
    %add3A_82 = arith.addf %add3A_74, %select_n3A_81 : vector<1x1x128xf32>
    %eq3A_83 = arith.constant 3 : i32
    %eq3A_84 = vector.broadcast %eq3A_83 : i32 to vector<1x1x128xi32>
    %eq3A_85 = arith.cmpi eq, %iota3A, %eq3A_84 : vector<1x1x128xi32>
    %jit3A_86 = arith.constant 0.000000e+00 : f32
    %broadcast_in_dim3A_87 = vector.broadcast %reduce_sum3A_51 : f32 to vector<1x1x128xf32>
    %broadcast_in_dim3A_88 = vector.broadcast %jit3A_86 : f32 to vector<1x1x128xf32>
    %select_n3A_89 = arith.select %eq3A_85, %broadcast_in_dim3A_87, %broadcast_in_dim3A_88 : vector<1x1x128xi1>, vector<1x1x128xf32>
    %add3A_90 = arith.addf %add3A_82, %select_n3A_89 : vector<1x1x128xf32>
    %eq3A_91 = arith.constant 4 : i32
    %eq3A_92 = vector.broadcast %eq3A_91 : i32 to vector<1x1x128xi32>
    %eq3A_93 = arith.cmpi eq, %iota3A, %eq3A_92 : vector<1x1x128xi32>
    %jit3A_94 = arith.constant 0.000000e+00 : f32
    %broadcast_in_dim3A_95 = vector.broadcast %reduce_sum3A_57 : f32 to vector<1x1x128xf32>
    %broadcast_in_dim3A_96 = vector.broadcast %jit3A_94 : f32 to vector<1x1x128xf32>
    %select_n3A_97 = arith.select %eq3A_93, %broadcast_in_dim3A_95, %broadcast_in_dim3A_96 : vector<1x1x128xi1>, vector<1x1x128xf32>
    %add3A_98 = arith.addf %add3A_90, %select_n3A_97 : vector<1x1x128xf32>
    %swap3A_99 = arith.constant 0 : index
    %swap3A_100 = arith.constant 0 : index
    %swap3A_101 = arith.constant 0 : index
    %swap3A_102 = vector.load %arg5[%swap3A_99, %swap3A_100, %swap3A_101] : memref<1x1x128xf32, #tpu.memory_space<vmem>>, vector<1x1x128xf32>
    tpu.vector_store %arg5[%swap3A_99, %swap3A_100, %swap3A_101], %add3A_98 {strides = array<i32>} : memref<1x1x128xf32, #tpu.memory_space<vmem>>, vector<1x1x128xf32>,
    return
  }
  func.func @transform_0(%arg0: i32, %arg1: i32) -> (i32, i32, i32) {
    %c0_i32 = arith.constant 0 : i32
    %c0_i32_0 = arith.constant 0 : i32
    return %arg0, %arg1, %c0_i32 : i32, i32, i32
  }
  func.func @transform_1(%arg0: i32, %arg1: i32) -> (i32, i32, i32) {
    %c0_i32 = arith.constant 0 : i32
    %c0_i32_0 = arith.constant 0 : i32
    return %arg0, %arg1, %c0_i32 : i32, i32, i32
  }
  func.func @transform_2(%arg0: i32, %arg1: i32) -> (i32, i32, i32) {
    %c0_i32 = arith.constant 0 : i32
    %c0_i32_0 = arith.constant 0 : i32
    return %arg0, %arg1, %c0_i32 : i32, i32, i32
  }
  func.func @transform_3(%arg0: i32, %arg1: i32) -> (i32, i32, i32) {
    %mul3A = arith.constant 8 : i32
    %mul3A_0 = arith.muli %arg0, %mul3A : i32
    %add3A = arith.addi %mul3A_0, %arg1 : i32
    %c0_i32 = arith.constant 0 : i32
    %c0_i32_1 = arith.constant 0 : i32
    %c0_i32_2 = arith.constant 0 : i32
    return %add3A, %c0_i32, %c0_i32_1 : i32, i32, i32
  }
}

module attributes {stable_mosaic.version = 14 : i64} {
  func.func @_k2_body(%arg0: i32, %arg1: i32, %arg2: memref<1x256x768xf32, #tpu.memory_space<vmem>>, %arg3: memref<1x256x768xf32, #tpu.memory_space<vmem>>, %arg4: memref<1x256x256xf32, #tpu.memory_space<vmem>>, %arg5: memref<768x512xf32, #tpu.memory_space<vmem>>, %arg6: memref<1x1x128xf32, #tpu.memory_space<vmem>>) attributes {dimension_semantics = [#tpu.dimension_semantics<arbitrary>, #tpu.dimension_semantics<arbitrary>], iteration_bounds = array<i64: 4, 16>, scalar_prefetch = 0 : i64, scratch_operands = 0 : i64, tpu.core_type = #tpu.core_type<tc>, window_params = [{transform_indices = @transform_0, window_bounds = array<i64: 1, 256, 768>}, {transform_indices = @transform_1, window_bounds = array<i64: 1, 256, 768>}, {transform_indices = @transform_2, window_bounds = array<i64: 1, 256, 256>}, {pipeline_mode = #tpu.pipeline_mode<synchronous>, transform_indices = @transform_3, window_bounds = array<i64: 768, 512>}, {transform_indices = @transform_4, window_bounds = array<i64: 1, 1, 128>}]} {
    %get3A = arith.constant 0 : index
    %get3A_0 = arith.constant 0 : index
    %get3A_1 = arith.constant 0 : index
    %get3A_2 = vector.load %arg2[%get3A, %get3A_0, %get3A_1] : memref<1x256x768xf32, #tpu.memory_space<vmem>>, vector<1x256x768xf32>
    %get3A_3 = vector.shape_cast %get3A_2 : vector<1x256x768xf32> to vector<256x768xf32>
    %get3A_4 = arith.constant 0 : index
    %get3A_5 = arith.constant 0 : index
    %get3A_6 = arith.constant 0 : index
    %get3A_7 = vector.load %arg3[%get3A_4, %get3A_5, %get3A_6] : memref<1x256x768xf32, #tpu.memory_space<vmem>>, vector<1x256x768xf32>
    %get3A_8 = vector.shape_cast %get3A_7 : vector<1x256x768xf32> to vector<256x768xf32>
    %get3A_9 = arith.constant 0 : index
    %get3A_10 = arith.constant 0 : index
    %get3A_11 = arith.constant 0 : index
    %get3A_12 = vector.load %arg4[%get3A_9, %get3A_10, %get3A_11] : memref<1x256x256xf32, #tpu.memory_space<vmem>>, vector<1x256x256xf32>
    %get3A_13 = vector.shape_cast %get3A_12 : vector<1x256x256xf32> to vector<256x256xf32>
    %sub3A = arith.subf %get3A_3, %get3A_8 : vector<256x768xf32>
    %mul3A = arith.mulf %sub3A, %sub3A : vector<256x768xf32>
    %reduce_sum3A = vector.shape_cast %mul3A : vector<256x768xf32> to vector<1x256x768xf32>
    %reduce_sum3A_14 = arith.constant dense<0.000000e+00> : vector<1xf32>
    %reduce_sum3A_15 = vector.multi_reduction <add>, %reduce_sum3A, %reduce_sum3A_14 [1, 2] : vector<1x256x768xf32> to vector<1xf32>
    %reduce_sum3A_16 = vector.shape_cast %reduce_sum3A_15 : vector<1xf32> to vector<1x1x1xf32>
    %reduce_sum3A_17 = vector.extract %reduce_sum3A_16[0, 0, 0] : f32 from vector<1x1x1xf32>
    %get3A_18 = arith.constant 0 : index
    %get3A_19 = arith.constant 0 : index
    %get3A_20 = vector.load %arg5[%get3A_18, %get3A_19] : memref<768x512xf32, #tpu.memory_space<vmem>>, vector<768x512xf32>
    %dot_general3A = arith.constant dense<0.000000e+00> : vector<256x512xf32>
    %dot_general3A_21 = tpu.matmul %get3A_3, %get3A_20, %dot_general3A {dimension_numbers = #tpu.dot_dimension_numbers<[1], [0], [0], [1], [0, 0, 1, 1], [], []>, transpose_lhs_hint = false} : vector<256x768xf32>, vector<768x512xf32>, vector<256x512xf32> -> vector<256x512xf32>
    %slice3A = vector.extract_strided_slice %dot_general3A_21 {offsets = [0, 0], sizes = [256, 256], strides = [1, 1]} : vector<256x512xf32> to vector<256x256xf32>
    %slice3A_22 = vector.extract_strided_slice %dot_general3A_21 {offsets = [0, 256], sizes = [256, 256], strides = [1, 1]} : vector<256x512xf32> to vector<256x256xf32>
    %slice3A_23 = vector.extract_strided_slice %get3A_13 {offsets = [0, 1], sizes = [256, 255], strides = [1, 1]} : vector<256x256xf32> to vector<256x255xf32>
    %slice3A_24 = vector.extract_strided_slice %get3A_13 {offsets = [0, 255], sizes = [256, 1], strides = [1, 1]} : vector<256x256xf32> to vector<256x1xf32>
    %concatenate3A = tpu.concatenate %slice3A_23, %slice3A_24 in 1 : vector<256x255xf32>, vector<256x1xf32> -> vector<256x256xf32>
    %slice3A_25 = vector.extract_strided_slice %get3A_13 {offsets = [0, 0], sizes = [256, 1], strides = [1, 1]} : vector<256x256xf32> to vector<256x1xf32>
    %slice3A_26 = vector.extract_strided_slice %get3A_13 {offsets = [0, 0], sizes = [256, 255], strides = [1, 1]} : vector<256x256xf32> to vector<256x255xf32>
    %concatenate3A_27 = tpu.concatenate %slice3A_25, %slice3A_26 in 1 : vector<256x1xf32>, vector<256x255xf32> -> vector<256x256xf32>
    %sub3A_28 = arith.subf %concatenate3A, %concatenate3A_27 : vector<256x256xf32>
    %mul3A_29 = arith.constant 5.000000e-03 : f32
    %mul3A_30 = vector.broadcast %mul3A_29 : f32 to vector<256x256xf32>
    %mul3A_31 = arith.mulf %sub3A_28, %mul3A_30 : vector<256x256xf32>
    %slice3A_32 = vector.extract_strided_slice %get3A_13 {offsets = [1, 0], sizes = [255, 256], strides = [1, 1]} : vector<256x256xf32> to vector<255x256xf32>
    %slice3A_33 = vector.extract_strided_slice %get3A_13 {offsets = [255, 0], sizes = [1, 256], strides = [1, 1]} : vector<256x256xf32> to vector<1x256xf32>
    %concatenate3A_34 = tpu.concatenate %slice3A_32, %slice3A_33 in 0 : vector<255x256xf32>, vector<1x256xf32> -> vector<256x256xf32>
    %slice3A_35 = vector.extract_strided_slice %get3A_13 {offsets = [0, 0], sizes = [1, 256], strides = [1, 1]} : vector<256x256xf32> to vector<1x256xf32>
    %slice3A_36 = vector.extract_strided_slice %get3A_13 {offsets = [0, 0], sizes = [255, 256], strides = [1, 1]} : vector<256x256xf32> to vector<255x256xf32>
    %concatenate3A_37 = tpu.concatenate %slice3A_35, %slice3A_36 in 0 : vector<1x256xf32>, vector<255x256xf32> -> vector<256x256xf32>
    %sub3A_38 = arith.subf %concatenate3A_34, %concatenate3A_37 : vector<256x256xf32>
    %mul3A_39 = arith.constant 5.000000e-03 : f32
    %mul3A_40 = vector.broadcast %mul3A_39 : f32 to vector<256x256xf32>
    %mul3A_41 = arith.mulf %sub3A_38, %mul3A_40 : vector<256x256xf32>
    %mul3A_42 = arith.mulf %slice3A, %mul3A_31 : vector<256x256xf32>
    %mul3A_43 = arith.mulf %slice3A_22, %mul3A_41 : vector<256x256xf32>
    %add3A = arith.addf %mul3A_42, %mul3A_43 : vector<256x256xf32>
    %mul3A_44 = arith.mulf %add3A, %add3A : vector<256x256xf32>
    %reduce_sum3A_45 = vector.shape_cast %mul3A_44 : vector<256x256xf32> to vector<1x256x256xf32>
    %reduce_sum3A_46 = arith.constant dense<0.000000e+00> : vector<1xf32>
    %reduce_sum3A_47 = vector.multi_reduction <add>, %reduce_sum3A_45, %reduce_sum3A_46 [1, 2] : vector<1x256x256xf32> to vector<1xf32>
    %reduce_sum3A_48 = vector.shape_cast %reduce_sum3A_47 : vector<1xf32> to vector<1x1x1xf32>
    %reduce_sum3A_49 = vector.extract %reduce_sum3A_48[0, 0, 0] : f32 from vector<1x1x1xf32>
    %iota3A = tpu.iota {dimensions = array<i32: 2>} : vector<1x1x128xi32>
    %eq3A = arith.constant 0 : i32
    %eq3A_50 = vector.broadcast %eq3A : i32 to vector<1x1x128xi32>
    %eq3A_51 = arith.cmpi eq, %iota3A, %eq3A_50 : vector<1x1x128xi32>
    %jit3A = arith.constant 0.000000e+00 : f32
    %broadcast_in_dim3A = vector.broadcast %reduce_sum3A_17 : f32 to vector<1x1x128xf32>
    %broadcast_in_dim3A_52 = vector.broadcast %jit3A : f32 to vector<1x1x128xf32>
    %select_n3A = arith.select %eq3A_51, %broadcast_in_dim3A, %broadcast_in_dim3A_52 : vector<1x1x128xi1>, vector<1x1x128xf32>
    %eq3A_53 = arith.constant 1 : i32
    %eq3A_54 = vector.broadcast %eq3A_53 : i32 to vector<1x1x128xi32>
    %eq3A_55 = arith.cmpi eq, %iota3A, %eq3A_54 : vector<1x1x128xi32>
    %jit3A_56 = arith.constant 0.000000e+00 : f32
    %broadcast_in_dim3A_57 = vector.broadcast %reduce_sum3A_49 : f32 to vector<1x1x128xf32>
    %broadcast_in_dim3A_58 = vector.broadcast %jit3A_56 : f32 to vector<1x1x128xf32>
    %select_n3A_59 = arith.select %eq3A_55, %broadcast_in_dim3A_57, %broadcast_in_dim3A_58 : vector<1x1x128xi1>, vector<1x1x128xf32>
    %add3A_60 = arith.addf %select_n3A, %select_n3A_59 : vector<1x1x128xf32>
    %swap3A = arith.constant 0 : index
    %swap3A_61 = arith.constant 0 : index
    %swap3A_62 = arith.constant 0 : index
    %swap3A_63 = vector.load %arg6[%swap3A, %swap3A_61, %swap3A_62] : memref<1x1x128xf32, #tpu.memory_space<vmem>>, vector<1x1x128xf32>
    tpu.vector_store %arg6[%swap3A, %swap3A_61, %swap3A_62], %add3A_60 {strides = array<i32>} : memref<1x1x128xf32, #tpu.memory_space<vmem>>, vector<1x1x128xf32>,
    return
  }
  func.func @transform_0(%arg0: i32, %arg1: i32) -> (i32, i32, i32) {
    %c0_i32 = arith.constant 0 : i32
    %c0_i32_0 = arith.constant 0 : i32
    return %arg0, %arg1, %c0_i32 : i32, i32, i32
  }
  func.func @transform_1(%arg0: i32, %arg1: i32) -> (i32, i32, i32) {
    %c0_i32 = arith.constant 0 : i32
    %c0_i32_0 = arith.constant 0 : i32
    return %arg0, %arg1, %c0_i32 : i32, i32, i32
  }
  func.func @transform_2(%arg0: i32, %arg1: i32) -> (i32, i32, i32) {
    %c0_i32 = arith.constant 0 : i32
    %c0_i32_0 = arith.constant 0 : i32
    return %arg0, %arg1, %c0_i32 : i32, i32, i32
  }
  func.func @transform_3(%arg0: i32, %arg1: i32) -> (i32, i32) {
    %c0_i32 = arith.constant 0 : i32
    %c0_i32_0 = arith.constant 0 : i32
    %c0_i32_1 = arith.constant 0 : i32
    return %c0_i32, %c0_i32_0 : i32, i32
  }
  func.func @transform_4(%arg0: i32, %arg1: i32) -> (i32, i32, i32) {
    %mul3A = arith.constant 16 : i32
    %mul3A_0 = arith.muli %arg0, %mul3A : i32
    %add3A = arith.addi %mul3A_0, %arg1 : i32
    %c0_i32 = arith.constant 0 : i32
    %c0_i32_1 = arith.constant 0 : i32
    %c0_i32_2 = arith.constant 0 : i32
    return %add3A, %c0_i32, %c0_i32_1 : i32, i32, i32
  }
}

</mosaic_0001>

<sc_bundles>
// kernel: kernel.6.cloned.1.call-start
scs
__scs_entry_jumppad:
0x0: {  	(pc) =	sbr.rel $0x88, $3  }
0x1: {  	(tag) =	ssettag $0x0;
	lr =	simm.s32 $0x1  }
0x2: {  	[smem:$0x3F9D] =	sst lr;
	_ =	strace $0xD0000000  }
0x3: {  	_ = 	snop  }
0x4: {  	_ = 	snop  }
0x5: {  	_ = 	snop  }
0x6: {  	_ = 	snop  }
0x7: {  	_ = 	snop  }
__scs_overlays_trampoline_lowered:
0x8: {  	[smem:$0x3FAC] =	sst s0  }
0x9: {  	[smem:$0x3FAD] =	sst s1  }
0xa: {  	[smem:$0x3FAE] =	sst s2  }
0xb: {  	[smem:$0x3FAF] =	sst s3  }
0xc: {  	[smem:$0x3FB0] =	sst s4  }
0xd: {  	[smem:$0x3FB1] =	sst s5  }
0xe: {  	[smem:$0x3FB2] =	sst s6  }
0xf: {  	[smem:$0x3FB3] =	sst s7  }
0x10: {  	[smem:$0x3FB4] =	sst s8  }
0x11: {  	[smem:$0x3FB5] =	sst s9;
	s0 =	simm.s32 @!p0 $0x0  }
0x12: {  	s1 =	sld [smem:$0x3F9B];
	s0 =	simm.s32 @p0 $0x1  }
0x13: {  	[smem:$0x3FB6] =	sst s0;
	s0 =	simm.s32 @!p1 $0x0  }
0x14: {  	s2 =	sld [smem:$0x3F9A];
	s0 =	simm.s32 @p1 $0x1  }
0x15: {  	[smem:$0x3FB7] =	sst s0;
	s0 =	simm.s32 @!p2 $0x0  }
0x16: {  	s3 =	sld [smem:$0x3FDB];
	s0 =	simm.s32 @p2 $0x1  }
0x17: {  	s4 =	simm.s32 $0x1BF5;
	[smem:$0x3FB9] =	sst s0  }
0x18: {  	s0 =	sld [smem:$0x3F9C];
	_ =	swait.ge [sflag:s4], $0x0  }
0x19: {  	s7 =	sld [smem:$0x3F9D]  }
0x1a: {  	s8 =	sadd.s32 $0xFFFFE003, lr  }
0x1b: {  	s9 =	sadd.s32 $0xFFFFFEF7, lr;
	s5 =	simm.s32 $0xFFFFFFFF;
	p2 =	slt.u32 s8, $0xFFFFF086  }
0x1c: {  	p1 =	slt.u32 s9, $0xF7A;
	s5 =	simm.s32 @!p2 $0x0  }
0x1d: {  	s5 =	simm.s32 @p1 $0x1;
	p0 =	seq.s32 s7, s2  }
0x1e: {  	s7 =	smul.u32 @!p0 $0xF7A, s2;
	p2 =	seq.s32 @!p0 s5, $0x0  }
0x1f: {  	s9 =	smul.u32 $0xF7A, s1;
	s8 =	simm.s32 @!p0 $0x1BF5;
	p2 =	por !p2, p0  }
0x20: {  	[sflag:s8] =	ssyncset.s32 @!p0 $0xFFFFF086;
	s6 =	sadd.s32 @!p0 s3, s7;
	s7 =	simm.s32 @!p0 $0x108  }
0x21: {  	s3 =	sadd.s32 s3, s9;
	s6 =	sadd.s32 @!p0 $0x88, s6;
	s7 =	simm.s32 @p2 $0x1082  }
0x22: {  	[simem:s7], [sflag:s8] =	dma.local @!p0 [hbm:s6], $0xF7A  }
0x23: {  	s9 =	sor.u32 $0xD0000000, s2;
	s6 =	simm.s32 $0x108;
	_ =	swait.ge @!p0 [sflag:s8], $0x0  }
0x24: {  	s3 =	sadd.s32 $0x88, s3;
	s6 =	simm.s32 @!p1 $0x1082;
	[sflag:s4] =	ssyncset.s32 $0xFFFFF086  }
0x25: {  	[simem:s6], [sflag:s4] =	dma.local [hbm:s3], $0xF7A  }
0x26: {  	[smem:$0x3F9D] =	sst s1;
	(tag) =	ssettag s2;
	_ =	strace s9  }
0x27: {  	s1 =	sld [smem:$0x3FAD]  }
0x28: {  	s2 =	sld [smem:$0x3FAE]  }
0x29: {  	s4 =	sld [smem:$0x3FB0]  }
0x2a: {  	p0 =	seq.s32 s5, $0x0;
	s5 =	sld [smem:$0x3FB1]  }
0x2b: {  	s6 =	sld [smem:$0x3FB2]  }
0x2c: {  	s7 =	sld [smem:$0x3FB3]  }
0x2d: {  	s3 =	simm.s32 $0x108;
	s8 =	sld [smem:$0x3FB4]  }
0x2e: {  	s3 =	simm.s32 @!p0 $0x1082;
	s9 =	sld [smem:$0x3FB5]  }
0x2f: {  	lr =	sadd.s32 s0, s3;
	s0 =	sld [smem:$0x3FAC]  }
0x30: {  	s3 =	sld [smem:$0x3FAF]  }
0x31: {  	[smem:$0x3FB8] =	sst s10  }
0x32: {  	s10 =	sld [smem:$0x3FB6];
	_ =	sdelay $0x3  }
0x33: {  	p0 =	seq.s32 s10, $0x1;
	s10 =	sld [smem:$0x3FB8];
	_ =	sdelay $0x3  }
0x34: {  	[smem:$0x3FB8] =	sst s10  }
0x35: {  	s10 =	sld [smem:$0x3FB7];
	_ =	sdelay $0x3  }
0x36: {  	p1 =	seq.s32 s10, $0x1;
	s10 =	sld [smem:$0x3FB8];
	_ =	sdelay $0x3  }
0x37: {  	[smem:$0x3FB8] =	sst s10  }
0x38: {  	s10 =	sld [smem:$0x3FB9]  }
0x39: {  	_ = 	snop;
	(pc) =	sbr.ind lr, $3  }
0x3a: {  	_ = 	snop  }
0x3b: {  	_ = 	snop  }
0x3c: {  	p2 =	seq.s32 s10, $0x1;
	s10 =	sld [smem:$0x3FB8]  }
0x3d: {  	_ =	shalt  }
0x3e: {  	_ =	shalt  }
0x3f: {  	_ =	shalt  }
0x40: {  	_ =	shalt  }
0x41: {  	_ =	shalt  }
0x42: {  	_ =	shalt  }
0x43: {  	_ =	shalt  }
0x44: {  	_ =	shalt  }
0x45: {  	_ =	shalt  }
0x46: {  	_ =	shalt  }
0x47: {  	_ =	shalt  }
0x48: {  	_ =	shalt  }
0x49: {  	_ =	shalt  }
0x4a: {  	_ =	shalt  }
0x4b: {  	_ =	shalt  }
0x4c: {  	_ =	shalt  }
0x4d: {  	_ =	shalt  }
0x4e: {  	_ =	shalt  }
0x4f: {  	_ =	shalt  }
0x50: {  	_ =	shalt  }
0x51: {  	_ =	shalt  }
0x52: {  	_ =	shalt  }
0x53: {  	_ =	shalt  }
0x54: {  	_ =	shalt  }
0x55: {  	_ =	shalt  }
0x56: {  	_ =	shalt  }
0x57: {  	_ =	shalt  }
0x58: {  	_ =	shalt  }
0x59: {  	_ =	shalt  }
0x5a: {  	_ =	shalt  }
0x5b: {  	_ =	shalt  }
0x5c: {  	_ =	shalt  }
0x5d: {  	_ =	shalt  }
0x5e: {  	_ =	shalt  }
0x5f: {  	_ =	shalt  }
0x60: {  	_ =	shalt  }
0x61: {  	_ =	shalt  }
0x62: {  	_ =	shalt  }
0x63: {  	_ =	shalt  }
0x64: {  	_ =	shalt  }
0x65: {  	_ =	shalt  }
0x66: {  	_ =	shalt  }
0x67: {  	_ =	shalt  }
0x68: {  	_ =	shalt  }
0x69: {  	_ =	shalt  }
0x6a: {  	_ =	shalt  }
0x6b: {  	_ =	shalt  }
0x6c: {  	_ =	shalt  }
0x6d: {  	_ =	shalt  }
0x6e: {  	_ =	shalt  }
0x6f: {  	_ =	shalt  }
0x70: {  	_ =	shalt  }
0x71: {  	_ =	shalt  }
0x72: {  	_ =	shalt  }
0x73: {  	_ =	shalt  }
0x74: {  	_ =	shalt  }
0x75: {  	_ =	shalt  }
0x76: {  	_ =	shalt  }
0x77: {  	_ =	shalt  }
0x78: {  	_ =	shalt  }
0x79: {  	_ =	shalt  }
0x7a: {  	_ =	shalt  }
0x7b: {  	_ =	shalt  }
0x7c: {  	_ =	shalt  }
0x7d: {  	_ =	shalt  }
0x7e: {  	_ =	shalt  }
0x7f: {  	_ =	shalt  }
0x80: {  	_ =	shalt  }
0x81: {  	_ =	shalt  }
0x82: {  	_ =	shalt  }
0x83: {  	_ =	shalt  }
0x84: {  	_ =	shalt  }
0x85: {  	_ =	shalt  }
0x86: {  	_ =	shalt  }
0x87: {  	_ =	shalt  }
.Lfunc_end0:
.L_simem_size_0:
called_computation_lowered:
.L_overlay_start_0:
0x88: {  	s2 =	sld [smem:$0x3FD9]  }
0x89: {  	s3 =	sld [smem:$0x3FFE];
	_ =	sdelay $0x1  }
0x8a: {  	s1 =	srdreg.scid  }
0x8b: {  	s0 =	sand.u32 $0x1, s1  }
0x8c: {  	s16 =	sshll.u32 s0, $0xA;
	s2 =	sadd.s32 s3, s2  }
0x8d: {  	s2 =	sadd.s32 s2, s16  }
0x8e: {  	[smem:$0x3FC4] =	sst s2  }
0x8f: {  	_ = 	snop  }
0x90: {  	(tm) =	ssettm $0x1  }
0x91: {  	s17 =	sld [smem:$0x3FFB];
	_ =	sdelay $0x3  }
0x92: {  	_ =	strace s17  }
0x93: {  	s2 =	sld [smem:$0x3FFC];
	_ =	sdelay $0x3  }
0x94: {  	_ =	strace s2  }
0x95: {  	s2 =	sld [smem:$0x3FFD];
	_ =	sdelay $0x3  }
0x96: {  	_ =	strace s2  }
0x97: {  	_ =	strace $0x8FFFFFFF  }
0x98: {  	s18 =	sld [smem:$0x3FDB];
	_ =	sdelay $0x1  }
0x99: {  	s19 =	simm.s32 $_scs_section_size  }
0x9a: {  	s4 =	simm.s32 $_size__tile_overlayer_lowered;
	s5 =	simm.s32 $_tile_overlayer_lowered  }
0x9b: {  	s22 =	simm.s32 $0x1BFF;
	s21 =	sshll.u32 s5, $0x1;
	s2 =	sadd.s32 s19, s18  }
0x9c: {  	s6 =	simm.s32 $0x0;
	s20 =	sshll.u32 s4, $0x1;
	s4 =	sadd.s32 s21, s2  }
0x9d: {  	[timem:s6], [sflag:s22] =	dma.local [hbm:s4], s20  }
0x9e: {  	_ =	swait.ge [sflag:s22], s20  }
0x9f: {  	s3 =	ssub.s32 $0x0, s20;
	[sflag:s22] =	ssyncset.done $0x0  }
0xa0: {  	[sflag:s22] =	ssyncadd.s32 s3;
	_ =	sdelay $0x1  }
0xa1: {  	s23 =	simm.s32 $0x1B8B  }
0xa2: {  	_ =	swait.ge [sflag:s23], $0x1  }
0xa3: {  	[sflag:s23] =	ssyncset.done $0x0  }
0xa4: {  	s25 =	simm.s32 $0x1B8E;
	s24 =	sld [smem:$0x3FFE];
	[sflag:s23] =	ssyncadd.s32 $0xFFFFFFFF  }
0xa5: {  	s26 =	simm.s32 $execute0_lowered;
	[smem:$0x3FD2] =	sst s25  }
0xa6: {  	s4 =	sshll.u32 s26, $0x1;
	_ =	strace $0x80000046;
	[dreg:$0x1] =	wrdreg $0xFFFFFFFF  }
0xa7: {  	s28 =	simm.s32 $_size_execute0_lowered;
	s2 =	sadd.s32 s2, s4;
	[dreg:$0x0] =	wrdreg $0x0  }
0xa8: {  	s4 =	sshll.u32 s28, $0x1;
	[dreg:$0x2] =	wrdreg s2  }
0xa9: {  	[dreg:$0x3] =	wrdreg s4  }
0xaa: {  	[dreg:$0x4] =	wrdreg $0xC0  }
0xab: {  	_ =	task [dreg:s6], $0x5FFFF  }
0xac: {  	[dreg:$0x1] =	wrdreg $0xFFFFFFFF  }
0xad: {  	[dreg:$0x0] =	wrdreg $0x60  }
0xae: {  	[dreg:$0x2] =	wrdreg s24  }
0xaf: {  	[dreg:$0x3] =	wrdreg $0x9  }
0xb0: {  	_ =	task.clear_ibuf [dreg:s6], $0x4FFFF;
	_ =	strace $0x90000046  }
0xb1: {  	s29 =	simm.s32 $0x9;
	_ =	strace $0x80000048  }
0xb2: {  	_ =	swait.ge [sflag:s29], $0x1  }
0xb3: {  	[sflag:s29] =	ssyncadd.s32 $0xFFFFFFFF  }
0xb4: {  	_ =	strace $0x90000048  }
0xb5: {  	_ =	sfence  }
0xb6: {  	s30 =	sld [smem:$0x0];
	_ =	sdelay $0x2  }
0xb7: {  	s31 =	sshll.u32 s1, $0xD;
	s1 =	sshrl.u32 s1, $0x2  }
0xb8: {  	s3 =	sand.u32 $0x4000, s31;
	s1 =	sadd.s32 s1, s30  }
0xb9: {  	s0 =	sor.u32 s3, s0;
	s1 =	sshll.u32 s1, $0x11  }
0xba: {  	s0 =	sor.u32 s1, s0  }
0xbb: {  	s0 =	sadd.s32 $0x8F2B, s0  }
0xbc: {  	[sflag:s0] =	ssyncadd.remote.s32 $0x1  }
0xbd: {  	_ =	sfence.sel $0xFFFF  }
0xbe: {  	[dreg:$0x0] =	wrdreg $0xFFFFFFFF;
	(pc) =	sbr.abs _section_cstart, $3  }
0xbf: {  	[dreg:$0x1] =	wrdreg $0xFFFFFFFF  }
0xc0: {  	_ =	task.clear_ibuf [dreg:s6], $0x2FFFF;
	_ =	strace $0x9FFFFFFF  }
0xc1: {  	(tm) =	ssettm $0x7FFFFFFF  }
tec
execute0_lowered:
.L_overlay_start_1:
0x0: {  	(tag) =	ssettag $0x1  }
0x1: {  	s3 =	rddreg [dreg:$0x0]  }
0x2: {  	s0 =	rddreg [dreg:$0x1]  }
0x3: {  	s4 =	srdreg.scid;
	s1 =	stileid.u32;
	s2 =	simm.s32 $0x0  }
0x4: {  	s4 =	sand.u32 $0x1, s4;
	s5 =	sshll.u32 s1, $0x1;
	[smem:$0x7FF] =	sst s2  }
0x5: {  	s7 =	sshll.u32 s1, $0xF;
	s5 =	sor.u32 s4, s5;
	_ =	strace $0x80000047  }
0x6: {  	s4 =	ssub.s32 $0x2, s4;
	s7 =	sand.u32 $0x60000, s7;
	s6 =	sshll.u32 s5, $0xC  }
0x7: {  	s8 =	sshrl.u32 s4, $0x1;
	s5 =	sshll.u32 s5, $0xE;
	s6 =	sadd.s32 s6, s3  }
0x8: {  	s8 =	ssub.s32 s4, s8;
	s31 =	sand.u32 $0x1C000, s5;
	s3 =	sadd.s32 s3, s7  }
0x9: {  	s7 =	simm.s32 $0x8000;
	s3 =	sadd.s32 s31, s3;
	s4 =	sadd.s32 $0x80200, s6  }
0xa: {  	v0 =	vimm.s32 $0x0;
	v1 =	vlaneseq.u32;
	v2 =	vimm.s32 $0x1;
	s5 =	smax.u32 s8, $0x1;
	s6 =	simm.s32 $0x1;
	s8 =	simm.s32 $0x0  }
.LBB2_1:
0xb: {  	s9 =	simm.s32 $0x8040  }
0xc: {  	[tilespmem:s9+$0xFFFFFFC0] =	vst v0  }
0xd: {  	[tilespmem:s9+$0x30] =	vst v0  }
0xe: {  	[tilespmem:s9+$0x20] =	vst v0  }
0xf: {  	[tilespmem:s9+$0x10] =	vst v0  }
0x10: {  	[tilespmem:s9+$0x0] =	vst v0  }
0x11: {  	[tilespmem:s9+$0xFFFFFFF0] =	vst v0  }
0x12: {  	s10 =	simm.s32 $0x0;
	[tilespmem:s9+$0xFFFFFFE0] =	vst v0  }
.LBB2_2:
0x13: {  	s10 =	sadd.s32 $0x8, s10;
	[tilespmem:s9+$0xFFFFFFD0] =	vst v0;
	s9 =	sadd.s32 $0x80, s9  }
0x14: {  	[tilespmem:s9+$0xFFFFFFC0] =	vst v0;
	p0 =	slt.u32 s10, $0x7F8  }
0x15: {  	[tilespmem:s9+$0x30] =	vst v0  }
.Ltmp0:
0x16: {  	[tilespmem:s9+$0x20] =	vst v0;
	(pc) =	sbr.rel @p0 .LBB2_2-.Ltmp0, $4  }
0x17: {  	[tilespmem:s9+$0x10] =	vst v0  }
0x18: {  	[tilespmem:s9+$0x0] =	vst v0  }
0x19: {  	[tilespmem:s9+$0xFFFFFFF0] =	vst v0  }
0x1a: {  	[tilespmem:s9+$0xFFFFFFE0] =	vst v0  }
0x1b: {  	[tilespmem:s9+$0xFFFFFFD0] =	vst v0;
	s9 =	simm.s32 $0x0;
	s10 =	simm.s32 $0x0  }
.LBB2_4:
0x1c: {  	s11 =	sshll.u32 s10, $0xC  }
0x1d: {  	s11 =	sadd.s32 s11, s3  }
0x1e: {  	[tilespmem:s9], [sflag:$0x1] =	stream.linear.gather [hbm4b:s11+s9], $0x8000, $0x38;
	[tilespmem:$0x10000] =	vst v63  }
0x1f: {  	_ =	swait.ge [sflag:s6], $0x8000  }
0x20: {  	s12 =	simm.s32 $0x0;
	[sflag:s6] =	ssyncset.done $0x0  }
0x21: {  	s13 =	simm.s32 $0x0;
	s11 =	simm.s32 $0x0;
	[sflag:s6] =	ssyncadd.s32 $0xFFFF8000  }
.LBB2_5:
0x22: {  	s14 =	sshll.u32 s12, $0x2;
	s15 =	sand.u32 $0x7, s11  }
0x23: {  	s14 =	sand.u32 $0xFFFF8000, s14;
	s15 =	sshll.u32 s15, $0x9  }
0x24: {  	s14 =	sor.u32 s15, s14  }
0x25: {  	s14 =	sshrl.u32 s14, $0x2  }
0x26: {  	s31 =	sor.u32 $0x40, s14  }
0x27: {  	v3 =	vld [tilespmem:s31+$0x30]  }
0x28: {  	v4 =	vld [tilespmem:s31+$0xFFFFFFD0]  }
0x29: {  	v5 =	vld [tilespmem:s31+$0xFFFFFFE0]  }
0x2a: {  	v6 =	vld [tilespmem:s31+$0xFFFFFFF0];
	_ =	sdelay $0x1  }
0x2b: {  	v7 =	vld [tilespmem:s31+$0x0];
	v3 =	vshrl.u32 v3, $0x10  }
0x2c: {  	v8 =	vld [tilespmem:s31+$0x10];
	v4 =	vshrl.u32 v4, $0x10;
	v3 =	vand.u32 $0xFFF0, v3  }
0x2d: {  	v11 =	vld [tilespmem:s31+$0xFFFFFFC0];
	v5 =	vshrl.u32 v5, $0x10;
	v4 =	vand.u32 $0xFFF0, v4;
	v10 =	vor.u32 v1, v3  }
0x2e: {  	v9 =	vld [tilespmem:s31+$0x20];
	v4 =	vor.u32 v1, v4;
	v3 =	vand.u32 $0xFFF0, v5;
	v5 =	vshrl.u32 v6, $0x10  }
0x2f: {  	v6 =	vor.u32 v1, v3;
	v3 =	vand.u32 $0xFFF0, v5  }
0x30: {  	v5 =	vshrl.u32 v7, $0x10;
	v7 =	vor.u32 v1, v3;
	_ =	sdelay $0x1  }
0x31: {  	v63 =	vshrl.u32 v11, $0x10;
	v3 =	vand.u32 $0xFFF0, v5;
	v5 =	vshrl.u32 v8, $0x10;
	[tilespmem:v10+s7+$0x0] =	vst.idx.add.s32.msk $0xffff, v2  }
0x32: {  	v8 =	vshrl.u32 v9, $0x10;
	v3 =	vor.u32 v1, v3;
	v5 =	vand.u32 $0xFFF0, v5;
	[tilespmem:v4+s7+$0x0] =	vst.idx.add.s32.msk $0xffff, v2  }
0x33: {  	v4 =	vor.u32 v1, v5;
	v5 =	vand.u32 $0xFFF0, v8;
	v8 =	vand.u32 $0xFFF0, v63;
	[tilespmem:v6+s7+$0x0] =	vst.idx.add.s32.msk $0xffff, v2  }
0x34: {  	s14 =	simm.s32 $0x0;
	s15 =	sadd.s32 $0x400, s31;
	v5 =	vor.u32 v1, v5;
	v6 =	vor.u32 v1, v8;
	[tilespmem:v7+s7+$0x0] =	vst.idx.add.s32.msk $0xffff, v2  }
.LBB2_6:
0x35: {  	v7 =	vld [tilespmem:s15+$0x30];
	s14 =	sadd.s32 $0x8, s14  }
0x36: {  	v8 =	vld [tilespmem:s15+$0xFFFFFFD0];
	p0 =	slt.u32 s14, $0x38  }
0x37: {  	v9 =	vld [tilespmem:s15+$0xFFFFFFE0]  }
0x38: {  	v10 =	vld [tilespmem:s15+$0xFFFFFFF0]  }
0x39: {  	v11 =	vld [tilespmem:s15+$0x0]  }
0x3a: {  	v12 =	vld [tilespmem:s15+$0x10];
	v7 =	vshrl.u32 v7, $0x10  }
0x3b: {  	v8 =	vshrl.u32 v8, $0x10;
	v13 =	vld [tilespmem:s15+$0x20];
	v7 =	vand.u32 $0xFFF0, v7  }
0x3c: {  	v14 =	vld [tilespmem:s15+$0xFFFFFFC0];
	v8 =	vand.u32 $0xFFF0, v8;
	v9 =	vshrl.u32 v9, $0x10;
	v7 =	vor.u32 v1, v7  }
0x3d: {  	v8 =	vor.u32 v1, v8;
	v9 =	vand.u32 $0xFFF0, v9;
	v10 =	vshrl.u32 v10, $0x10;
	[tilespmem:v6+s7+$0x0] =	vst.idx.add.s32.msk $0xffff, v2  }
0x3e: {  	v9 =	vor.u32 v1, v9;
	v6 =	vand.u32 $0xFFF0, v10;
	v10 =	vshrl.u32 v11, $0x10;
	[tilespmem:v3+s7+$0x0] =	vst.idx.add.s32.msk $0xffff, v2  }
0x3f: {  	v11 =	vor.u32 v1, v6;
	v3 =	vand.u32 $0xFFF0, v10;
	v6 =	vshrl.u32 v12, $0x10;
	[tilespmem:v4+s7+$0x0] =	vst.idx.add.s32.msk $0xffff, v2  }
.Ltmp1:
0x40: {  	v3 =	vor.u32 v1, v3;
	v4 =	vand.u32 $0xFFF0, v6;
	v6 =	vshrl.u32 v13, $0x10;
	[tilespmem:v5+s7+$0x0] =	vst.idx.add.s32.msk $0xffff, v2;
	(pc) =	sbr.rel @p0 .LBB2_6-.Ltmp1, $4  }
0x41: {  	v5 =	vshrl.u32 v14, $0x10;
	v4 =	vor.u32 v1, v4;
	v6 =	vand.u32 $0xFFF0, v6;
	[tilespmem:v7+s7+$0x0] =	vst.idx.add.s32.msk $0xffff, v2  }
0x42: {  	v7 =	vand.u32 $0xFFF0, v5;
	[tilespmem:v8+s7+$0x0] =	vst.idx.add.s32.msk $0xffff, v2;
	v5 =	vor.u32 v1, v6  }
0x43: {  	v6 =	vor.u32 v1, v7;
	[tilespmem:v9+s7+$0x0] =	vst.idx.add.s32.msk $0xffff, v2  }
0x44: {  	s15 =	sadd.s32 $0x400, s15;
	[tilespmem:v11+s7+$0x0] =	vst.idx.add.s32.msk $0xffff, v2  }
0x45: {  	_ = 	snop  }
0x46: {  	s13 =	sadd.s32 $0x1, s13  }
0x47: {  	p0 =	sne.s32 s13, $0x20  }
.Ltmp2:
0x48: {  	_ = 	snop;
	(pc) =	sbr.rel @p0 .LBB2_5-.Ltmp2, $4  }
0x49: {  	[tilespmem:v6+s7+$0x0] =	vst.idx.add.s32.msk $0xffff, v2  }
0x4a: {  	[tilespmem:v3+s7+$0x0] =	vst.idx.add.s32.msk $0xffff, v2  }
0x4b: {  	[tilespmem:v4+s7+$0x0] =	vst.idx.add.s32.msk $0xffff, v2  }
0x4c: {  	[tilespmem:v5+s7+$0x0] =	vst.idx.add.s32.msk $0xffff, v2;
	s12 =	sadd.s32 $0x400, s12;
	s11 =	sadd.s32 $0x1, s11  }
0x4d: {  	s10 =	sadd.s32 $0x1, s10  }
0x4e: {  	p0 =	sne.s32 s10, $0x4  }
.Ltmp3:
0x4f: {  	_ = 	snop;
	(pc) =	sbr.rel @p0 .LBB2_4-.Ltmp3, $1  }
0x50: {  	_ =	sdelay $0x3  }
0x51: {  	s8 =	sadd.s32 $0x1, s8  }
0x52: {  	p0 =	sne.s32 s8, s5  }
.Ltmp4:
0x53: {  	_ = 	snop;
	(pc) =	sbr.rel @p0 .LBB2_1-.Ltmp4, $4  }
0x54: {  	[hbm4b:s4+s2] =	stream.linear.scatter [tilespmem:s7], [sflag:$0x1], $0x8000, $0x38;
	[tilespmem:$0x10000] =	vst v63  }
0x55: {  	_ =	swait.ge [sflag:s6], $0x8000  }
0x56: {  	[sflag:s6] =	ssyncset.done $0x0  }
0x57: {  	[sflag:s6] =	ssyncadd.s32 $0xFFFF8000  }
0x58: {  	_ =	sfence.sel $0x180000  }
0x59: {  	[bflag:$0x0] =	sbarrier.arrive $0xFFFF  }
0x5a: {  	p0 =	sne.s32 s1, $0x0;
	_ =	strace $0x90000047  }
0x5b: {  	s0 =	sadd.s32 @!p0 $0x100000, s0;
	[bflag:$0x2] =	sbarrier.arrive $0xFFFF  }
0x5c: {  	[sflag:s0] =	ssyncadd.tile.s32 @!p0 $0x1;
	_ =	shalt  }
.Lfunc_end2:
_tile_overlayer_lowered:
.L_overlay_start_2:
0x5d: {  	(tag) =	ssettag $0x2  }
0x5e: {  	s0 =	rddreg [dreg:$0x0];
	s2 =	stileid.u32  }
0x5f: {  	s1 =	rddreg [dreg:$0x1];
	p0 =	sne.s32 s2, $0x0  }
0x60: {  	s3 =	rddreg [dreg:$0x2];
	[bflag:$0x3] =	sbarrier.arrive $0xFFFF;
	s2 =	simm.s32 @!p0 $0x1C01  }
0x61: {  	[timem:s3], [sflag:s2] =	dma.local @!p0 [hbm:s0], s1  }
0x62: {  	s0 =	simm.s32 @!p0 $0x1  }
0x63: {  	_ =	swait.ge @!p0 [sflag:s0], s1  }
0x64: {  	s1 =	ssub.s32 @!p0 $0x0, s1;
	[sflag:s0] =	ssyncset.done @!p0 $0x0  }
0x65: {  	[sflag:s0] =	ssyncadd.s32 @!p0 s1  }
0x66: {  	[bflag:$0x3] =	sbarrier.arrive $0xFFFF  }
0x67: {  	_ =	shalt  }

// kernel: kernel.9.cloned.1.call-start
scs
__scs_entry_jumppad:
0x0: {  	(pc) =	sbr.rel $0x88, $3  }
0x1: {  	(tag) =	ssettag $0x0;
	lr =	simm.s32 $0x1  }
0x2: {  	[smem:$0x3F9D] =	sst lr;
	_ =	strace $0xD0000000  }
0x3: {  	_ = 	snop  }
0x4: {  	_ = 	snop  }
0x5: {  	_ = 	snop  }
0x6: {  	_ = 	snop  }
0x7: {  	_ = 	snop  }
__scs_overlays_trampoline_lowered:
0x8: {  	[smem:$0x3FAC] =	sst s0  }
0x9: {  	[smem:$0x3FAD] =	sst s1  }
0xa: {  	[smem:$0x3FAE] =	sst s2  }
0xb: {  	[smem:$0x3FAF] =	sst s3  }
0xc: {  	[smem:$0x3FB0] =	sst s4  }
0xd: {  	[smem:$0x3FB1] =	sst s5  }
0xe: {  	[smem:$0x3FB2] =	sst s6  }
0xf: {  	[smem:$0x3FB3] =	sst s7  }
0x10: {  	[smem:$0x3FB4] =	sst s8  }
0x11: {  	[smem:$0x3FB5] =	sst s9;
	s0 =	simm.s32 @!p0 $0x0  }
0x12: {  	s1 =	sld [smem:$0x3F9B];
	s0 =	simm.s32 @p0 $0x1  }
0x13: {  	[smem:$0x3FB6] =	sst s0;
	s0 =	simm.s32 @!p1 $0x0  }
0x14: {  	s2 =	sld [smem:$0x3F9A];
	s0 =	simm.s32 @p1 $0x1  }
0x15: {  	[smem:$0x3FB7] =	sst s0;
	s0 =	simm.s32 @!p2 $0x0  }
0x16: {  	s3 =	sld [smem:$0x3FDB];
	s0 =	simm.s32 @p2 $0x1  }
0x17: {  	s4 =	simm.s32 $0x1BF5;
	[smem:$0x3FB9] =	sst s0  }
0x18: {  	s0 =	sld [smem:$0x3F9C];
	_ =	swait.ge [sflag:s4], $0x0  }
0x19: {  	s7 =	sld [smem:$0x3F9D]  }
0x1a: {  	s8 =	sadd.s32 $0xFFFFE003, lr  }
0x1b: {  	s9 =	sadd.s32 $0xFFFFFEF7, lr;
	s5 =	simm.s32 $0xFFFFFFFF;
	p2 =	slt.u32 s8, $0xFFFFF086  }
0x1c: {  	p1 =	slt.u32 s9, $0xF7A;
	s5 =	simm.s32 @!p2 $0x0  }
0x1d: {  	s5 =	simm.s32 @p1 $0x1;
	p0 =	seq.s32 s7, s2  }
0x1e: {  	s7 =	smul.u32 @!p0 $0xF7A, s2;
	p2 =	seq.s32 @!p0 s5, $0x0  }
0x1f: {  	s9 =	smul.u32 $0xF7A, s1;
	s8 =	simm.s32 @!p0 $0x1BF5;
	p2 =	por !p2, p0  }
0x20: {  	[sflag:s8] =	ssyncset.s32 @!p0 $0xFFFFF086;
	s6 =	sadd.s32 @!p0 s3, s7;
	s7 =	simm.s32 @!p0 $0x108  }
0x21: {  	s3 =	sadd.s32 s3, s9;
	s6 =	sadd.s32 @!p0 $0x88, s6;
	s7 =	simm.s32 @p2 $0x1082  }
0x22: {  	[simem:s7], [sflag:s8] =	dma.local @!p0 [hbm:s6], $0xF7A  }
0x23: {  	s9 =	sor.u32 $0xD0000000, s2;
	s6 =	simm.s32 $0x108;
	_ =	swait.ge @!p0 [sflag:s8], $0x0  }
0x24: {  	s3 =	sadd.s32 $0x88, s3;
	s6 =	simm.s32 @!p1 $0x1082;
	[sflag:s4] =	ssyncset.s32 $0xFFFFF086  }
0x25: {  	[simem:s6], [sflag:s4] =	dma.local [hbm:s3], $0xF7A  }
0x26: {  	[smem:$0x3F9D] =	sst s1;
	(tag) =	ssettag s2;
	_ =	strace s9  }
0x27: {  	s1 =	sld [smem:$0x3FAD]  }
0x28: {  	s2 =	sld [smem:$0x3FAE]  }
0x29: {  	s4 =	sld [smem:$0x3FB0]  }
0x2a: {  	p0 =	seq.s32 s5, $0x0;
	s5 =	sld [smem:$0x3FB1]  }
0x2b: {  	s6 =	sld [smem:$0x3FB2]  }
0x2c: {  	s7 =	sld [smem:$0x3FB3]  }
0x2d: {  	s3 =	simm.s32 $0x108;
	s8 =	sld [smem:$0x3FB4]  }
0x2e: {  	s3 =	simm.s32 @!p0 $0x1082;
	s9 =	sld [smem:$0x3FB5]  }
0x2f: {  	lr =	sadd.s32 s0, s3;
	s0 =	sld [smem:$0x3FAC]  }
0x30: {  	s3 =	sld [smem:$0x3FAF]  }
0x31: {  	[smem:$0x3FB8] =	sst s10  }
0x32: {  	s10 =	sld [smem:$0x3FB6];
	_ =	sdelay $0x3  }
0x33: {  	p0 =	seq.s32 s10, $0x1;
	s10 =	sld [smem:$0x3FB8];
	_ =	sdelay $0x3  }
0x34: {  	[smem:$0x3FB8] =	sst s10  }
0x35: {  	s10 =	sld [smem:$0x3FB7];
	_ =	sdelay $0x3  }
0x36: {  	p1 =	seq.s32 s10, $0x1;
	s10 =	sld [smem:$0x3FB8];
	_ =	sdelay $0x3  }
0x37: {  	[smem:$0x3FB8] =	sst s10  }
0x38: {  	s10 =	sld [smem:$0x3FB9]  }
0x39: {  	_ = 	snop;
	(pc) =	sbr.ind lr, $3  }
0x3a: {  	_ = 	snop  }
0x3b: {  	_ = 	snop  }
0x3c: {  	p2 =	seq.s32 s10, $0x1;
	s10 =	sld [smem:$0x3FB8]  }
0x3d: {  	_ =	shalt  }
0x3e: {  	_ =	shalt  }
0x3f: {  	_ =	shalt  }
0x40: {  	_ =	shalt  }
0x41: {  	_ =	shalt  }
0x42: {  	_ =	shalt  }
0x43: {  	_ =	shalt  }
0x44: {  	_ =	shalt  }
0x45: {  	_ =	shalt  }
0x46: {  	_ =	shalt  }
0x47: {  	_ =	shalt  }
0x48: {  	_ =	shalt  }
0x49: {  	_ =	shalt  }
0x4a: {  	_ =	shalt  }
0x4b: {  	_ =	shalt  }
0x4c: {  	_ =	shalt  }
0x4d: {  	_ =	shalt  }
0x4e: {  	_ =	shalt  }
0x4f: {  	_ =	shalt  }
0x50: {  	_ =	shalt  }
0x51: {  	_ =	shalt  }
0x52: {  	_ =	shalt  }
0x53: {  	_ =	shalt  }
0x54: {  	_ =	shalt  }
0x55: {  	_ =	shalt  }
0x56: {  	_ =	shalt  }
0x57: {  	_ =	shalt  }
0x58: {  	_ =	shalt  }
0x59: {  	_ =	shalt  }
0x5a: {  	_ =	shalt  }
0x5b: {  	_ =	shalt  }
0x5c: {  	_ =	shalt  }
0x5d: {  	_ =	shalt  }
0x5e: {  	_ =	shalt  }
0x5f: {  	_ =	shalt  }
0x60: {  	_ =	shalt  }
0x61: {  	_ =	shalt  }
0x62: {  	_ =	shalt  }
0x63: {  	_ =	shalt  }
0x64: {  	_ =	shalt  }
0x65: {  	_ =	shalt  }
0x66: {  	_ =	shalt  }
0x67: {  	_ =	shalt  }
0x68: {  	_ =	shalt  }
0x69: {  	_ =	shalt  }
0x6a: {  	_ =	shalt  }
0x6b: {  	_ =	shalt  }
0x6c: {  	_ =	shalt  }
0x6d: {  	_ =	shalt  }
0x6e: {  	_ =	shalt  }
0x6f: {  	_ =	shalt  }
0x70: {  	_ =	shalt  }
0x71: {  	_ =	shalt  }
0x72: {  	_ =	shalt  }
0x73: {  	_ =	shalt  }
0x74: {  	_ =	shalt  }
0x75: {  	_ =	shalt  }
0x76: {  	_ =	shalt  }
0x77: {  	_ =	shalt  }
0x78: {  	_ =	shalt  }
0x79: {  	_ =	shalt  }
0x7a: {  	_ =	shalt  }
0x7b: {  	_ =	shalt  }
0x7c: {  	_ =	shalt  }
0x7d: {  	_ =	shalt  }
0x7e: {  	_ =	shalt  }
0x7f: {  	_ =	shalt  }
0x80: {  	_ =	shalt  }
0x81: {  	_ =	shalt  }
0x82: {  	_ =	shalt  }
0x83: {  	_ =	shalt  }
0x84: {  	_ =	shalt  }
0x85: {  	_ =	shalt  }
0x86: {  	_ =	shalt  }
0x87: {  	_ =	shalt  }
.Lfunc_end0:
.L_simem_size_0:
called_computation.1_lowered:
.L_overlay_start_0:
0x88: {  	s2 =	sld [smem:$0x3FD9]  }
0x89: {  	s3 =	sld [smem:$0x3FFE];
	_ =	sdelay $0x1  }
0x8a: {  	s1 =	srdreg.scid  }
0x8b: {  	s0 =	sand.u32 $0x1, s1  }
0x8c: {  	s14 =	sshll.u32 s0, $0xA;
	s2 =	sadd.s32 s3, s2  }
0x8d: {  	s2 =	sadd.s32 s2, s14  }
0x8e: {  	[smem:$0x3FC4] =	sst s2  }
0x8f: {  	_ = 	snop  }
0x90: {  	s2 =	sld [smem:$0x3FD0];
	_ =	sdelay $0x2  }
0x91: {  	s15 =	simm.s32 $0xA;
	s4 =	simm.s32 $0x10  }
0x92: {  	[smem:s4], [sflag:s15] =	dma.local [hbm:s2], $0x1  }
0x93: {  	_ =	swait.eq [sflag:s15], $0x1  }
0x94: {  	[sflag:s15] =	ssyncset.done $0x0  }
0x95: {  	[sflag:s15] =	ssyncadd.s32 $0xFFFFFFFF  }
0x96: {  	s16 =	sld [smem:$0x11];
	(tm) =	ssettm $0x1  }
0x97: {  	s17 =	sld [smem:$0x3FFB];
	_ =	sdelay $0x3  }
0x98: {  	_ =	strace s17  }
0x99: {  	s3 =	sld [smem:$0x3FFC];
	_ =	sdelay $0x3  }
0x9a: {  	_ =	strace s3  }
0x9b: {  	s3 =	sld [smem:$0x3FFD];
	_ =	sdelay $0x3  }
0x9c: {  	_ =	strace s3  }
0x9d: {  	_ =	strace $0x8FFFFFFF  }
0x9e: {  	s18 =	sld [smem:$0x3FDB];
	_ =	sdelay $0x1  }
0x9f: {  	s19 =	simm.s32 $_scs_section_size  }
0xa0: {  	s5 =	simm.s32 $_size__tile_overlayer_lowered;
	s6 =	simm.s32 $_tile_overlayer_lowered  }
0xa1: {  	s22 =	simm.s32 $0x1BFF;
	s21 =	sshll.u32 s6, $0x1;
	s3 =	sadd.s32 s19, s18  }
0xa2: {  	s7 =	simm.s32 $0x0;
	s20 =	sshll.u32 s5, $0x1;
	s5 =	sadd.s32 s21, s3  }
0xa3: {  	[timem:s7], [sflag:s22] =	dma.local [hbm:s5], s20  }
0xa4: {  	_ =	swait.ge [sflag:s22], s20  }
0xa5: {  	s4 =	ssub.s32 $0x0, s20;
	[sflag:s22] =	ssyncset.done $0x0  }
0xa6: {  	[sflag:s22] =	ssyncadd.s32 s4;
	_ =	sdelay $0x1  }
0xa7: {  	s23 =	simm.s32 $0x1B8B  }
0xa8: {  	_ =	swait.ge [sflag:s23], $0x1  }
0xa9: {  	[sflag:s23] =	ssyncset.done $0x0  }
0xaa: {  	s25 =	simm.s32 $0x1B8E;
	s24 =	sld [smem:$0x3FFE];
	[sflag:s23] =	ssyncadd.s32 $0xFFFFFFFF  }
0xab: {  	s26 =	simm.s32 $execute0_lowered;
	[smem:$0x3FD2] =	sst s25  }
0xac: {  	s5 =	sshll.u32 s26, $0x1;
	_ =	strace $0x80000049;
	[dreg:$0x1] =	wrdreg $0xFFFFFFFF  }
0xad: {  	s28 =	simm.s32 $_size_execute0_lowered;
	s3 =	sadd.s32 s3, s5;
	[dreg:$0x0] =	wrdreg $0x0  }
0xae: {  	s5 =	sshll.u32 s28, $0x1;
	[dreg:$0x2] =	wrdreg s3  }
0xaf: {  	[dreg:$0x3] =	wrdreg s5  }
0xb0: {  	[dreg:$0x4] =	wrdreg $0xC0  }
0xb1: {  	_ =	task [dreg:s7], $0x5FFFF  }
0xb2: {  	[dreg:$0x1] =	wrdreg $0xFFFFFFFF  }
0xb3: {  	[dreg:$0x0] =	wrdreg $0x60  }
0xb4: {  	[dreg:$0x2] =	wrdreg s24  }
0xb5: {  	[dreg:$0x3] =	wrdreg s16  }
0xb6: {  	[dreg:$0x4] =	wrdreg $0x9  }
0xb7: {  	_ =	task.clear_ibuf [dreg:s7], $0x5FFFF;
	_ =	strace $0x90000049  }
0xb8: {  	s29 =	simm.s32 $0x9;
	_ =	strace $0x8000004B  }
0xb9: {  	_ =	swait.ge [sflag:s29], $0x1  }
0xba: {  	[sflag:s29] =	ssyncadd.s32 $0xFFFFFFFF  }
0xbb: {  	_ =	strace $0x9000004B  }
0xbc: {  	_ =	sfence  }
0xbd: {  	s30 =	sld [smem:$0x0];
	_ =	sdelay $0x2  }
0xbe: {  	s31 =	sshll.u32 s1, $0xD;
	s1 =	sshrl.u32 s1, $0x2  }
0xbf: {  	s3 =	sand.u32 $0x4000, s31;
	s1 =	sadd.s32 s1, s30  }
0xc0: {  	s0 =	sor.u32 s3, s0;
	s1 =	sshll.u32 s1, $0x11  }
0xc1: {  	s0 =	sor.u32 s1, s0  }
0xc2: {  	s0 =	sadd.s32 $0x8F2B, s0  }
0xc3: {  	[sflag:s0] =	ssyncadd.remote.s32 $0x1  }
0xc4: {  	_ =	sfence.sel $0xFFFF  }
0xc5: {  	[dreg:$0x0] =	wrdreg $0xFFFFFFFF;
	(pc) =	sbr.abs _section_cstart, $3  }
0xc6: {  	[dreg:$0x1] =	wrdreg $0xFFFFFFFF  }
0xc7: {  	_ =	task.clear_ibuf [dreg:s7], $0x2FFFF;
	_ =	strace $0x9FFFFFFF  }
0xc8: {  	(tm) =	ssettm $0x7FFFFFFF  }
0xc9: {  	_ =	shalt  }
tec
execute0_lowered:
.L_overlay_start_1:
0x0: {  	(tag) =	ssettag $0x1  }
0x1: {  	s4 =	rddreg [dreg:$0x0];
	s1 =	srdreg.scid  }
0x2: {  	s0 =	stileid.u32;
	s2 =	rddreg [dreg:$0x1];
	s3 =	simm.s32 $0x0  }
0x3: {  	s11 =	simm.s32 $0x10000;
	s5 =	sand.u32 $0x1, s1;
	s1 =	rddreg [dreg:$0x2]  }
0x4: {  	s12 =	simm.s32 $0x0;
	s6 =	sshll.u32 s0, $0x1;
	[smem:$0x7FF] =	sst s3  }
0x5: {  	s9 =	sshll.u32 s0, $0xF;
	s6 =	sor.u32 s5, s6;
	_ =	strace $0x8000004A  }
0x6: {  	s5 =	ssub.s32 $0x2, s5;
	s9 =	sand.u32 $0x60000, s9;
	s7 =	sshll.u32 s6, $0xC  }
0x7: {  	s8 =	smul.u32 $0x1002, s6;
	s10 =	sshrl.u32 s5, $0x1;
	s6 =	sshll.u32 s6, $0xE  }
0x8: {  	s7 =	sadd.s32 s7, s4;
	s10 =	ssub.s32 s5, s10;
	s31 =	sand.u32 $0x1C000, s6  }
0x9: {  	s8 =	sadd.s32 s8, s4;
	s4 =	sadd.s32 s4, s9;
	s5 =	sadd.s32 $0xA0400, s7  }
0xa: {  	v0 =	vimm.s32 $0x0;
	v1 =	vlaneseq.u32;
	s7 =	smax.u32 s10, $0x1;
	s9 =	simm.s32 $0x1;
	s10 =	simm.s32 $0x8000  }
0xb: {  	v2 =	vimm.f32 $0.0e+00;
	v3 =	vimm.s32 $0x1;
	v4 =	vor.u32 $0x8000, v1;
	s4 =	sadd.s32 s31, s4;
	s6 =	sadd.s32 $0x80200, s8;
	s8 =	simm.s32 $0x18080  }
.LBB2_1:
0xc: {  	s14 =	simm.s32 $0x8040  }
0xd: {  	[tilespmem:s14+$0xFFFFFFC0] =	vst v0  }
0xe: {  	[tilespmem:s14+$0x30] =	vst v0  }
0xf: {  	[tilespmem:s14+$0x20] =	vst v0  }
0x10: {  	[tilespmem:s14+$0x10] =	vst v0  }
0x11: {  	[tilespmem:s14+$0x0] =	vst v0  }
0x12: {  	[tilespmem:s14+$0xFFFFFFF0] =	vst v0  }
0x13: {  	s15 =	simm.s32 $0x0;
	[tilespmem:s14+$0xFFFFFFE0] =	vst v0  }
.LBB2_2:
0x14: {  	s15 =	sadd.s32 $0x8, s15;
	[tilespmem:s14+$0xFFFFFFD0] =	vst v0;
	s14 =	sadd.s32 $0x80, s14;
	s13 =	simm.s32 $0x10040  }
0x15: {  	[tilespmem:s14+$0xFFFFFFC0] =	vst v0;
	p0 =	slt.u32 s15, $0x7F8  }
0x16: {  	[tilespmem:s14+$0x30] =	vst v0  }
.Ltmp0:
0x17: {  	[tilespmem:s14+$0x20] =	vst v0;
	(pc) =	sbr.rel @p0 .LBB2_2-.Ltmp0, $4  }
0x18: {  	[tilespmem:s14+$0x10] =	vst v0  }
0x19: {  	[tilespmem:s14+$0x0] =	vst v0  }
0x1a: {  	[tilespmem:s14+$0xFFFFFFF0] =	vst v0  }
0x1b: {  	[tilespmem:s14+$0xFFFFFFE0] =	vst v0  }
0x1c: {  	[tilespmem:s14+$0xFFFFFFD0] =	vst v0  }
0x1d: {  	[tilespmem:s13+$0xFFFFFFC0] =	vst v2  }
0x1e: {  	[tilespmem:s13+$0x30] =	vst v2  }
0x1f: {  	[tilespmem:s13+$0x20] =	vst v2  }
0x20: {  	[tilespmem:s13+$0x10] =	vst v2  }
0x21: {  	[tilespmem:s13+$0x0] =	vst v2  }
0x22: {  	[tilespmem:s13+$0xFFFFFFF0] =	vst v2  }
0x23: {  	s14 =	simm.s32 $0x0;
	[tilespmem:s13+$0xFFFFFFE0] =	vst v2  }
.LBB2_4:
0x24: {  	s14 =	sadd.s32 $0x8, s14;
	[tilespmem:s13+$0xFFFFFFD0] =	vst v2;
	s13 =	sadd.s32 $0x80, s13  }
0x25: {  	[tilespmem:s13+$0xFFFFFFC0] =	vst v2;
	p0 =	slt.u32 s14, $0x7F8  }
0x26: {  	[tilespmem:s13+$0x30] =	vst v2  }
.Ltmp1:
0x27: {  	[tilespmem:s13+$0x20] =	vst v2;
	(pc) =	sbr.rel @p0 .LBB2_4-.Ltmp1, $4  }
0x28: {  	[tilespmem:s13+$0x10] =	vst v2  }
0x29: {  	[tilespmem:s13+$0x0] =	vst v2  }
0x2a: {  	[tilespmem:s13+$0xFFFFFFF0] =	vst v2  }
0x2b: {  	[tilespmem:s13+$0xFFFFFFE0] =	vst v2  }
0x2c: {  	[tilespmem:s13+$0xFFFFFFD0] =	vst v2  }
0x2d: {  	s13 =	simm.s32 $0x0;
	[tilespmem:$0x18000] =	vst v2  }
0x2e: {  	[tilespmem:s8], [sflag:$0x1] =	stream.linear.gather [hbm4b:s2+s13], $0x80, $0x38;
	[tilespmem:$0x18100] =	vst v63  }
0x2f: {  	_ =	swait.ge [sflag:s9], $0x80  }
0x30: {  	[sflag:s9] =	ssyncset.done $0x0  }
0x31: {  	[sflag:s9] =	ssyncadd.s32 $0xFFFFFF80  }
0x32: {  	v5 =	vld [tilespmem:$0x18080];
	_ =	sdelay $0x3  }
0x33: {  	s14 =	simm.s32 $0x0  }
.LBB2_6:
0x34: {  	s15 =	sshll.u32 s14, $0xC  }
0x35: {  	s15 =	sadd.s32 s15, s4  }
0x36: {  	[tilespmem:s13], [sflag:$0x1] =	stream.linear.gather [hbm4b:s15+s13], $0x8000, $0x38;
	[tilespmem:$0x18100] =	vst v63  }
0x37: {  	_ =	swait.ge [sflag:s9], $0x8000  }
0x38: {  	s16 =	simm.s32 $0x0;
	[sflag:s9] =	ssyncset.done $0x0  }
0x39: {  	s17 =	simm.s32 $0x0;
	s15 =	simm.s32 $0x0;
	[sflag:s9] =	ssyncadd.s32 $0xFFFF8000  }
.LBB2_7:
0x3a: {  	s18 =	sshll.u32 s16, $0x2;
	s19 =	sand.u32 $0x7, s15  }
0x3b: {  	s18 =	sand.u32 $0xFFFF8000, s18;
	s19 =	sshll.u32 s19, $0x9  }
0x3c: {  	s18 =	sor.u32 s19, s18  }
0x3d: {  	s18 =	sshrl.u32 s18, $0x2  }
0x3e: {  	s31 =	sor.u32 $0x40, s18  }
0x3f: {  	v14 =	vld [tilespmem:s31+$0x30]  }
0x40: {  	v11 =	vld [tilespmem:s31+$0xFFFFFFD0]  }
0x41: {  	v9 =	vld [tilespmem:s31+$0xFFFFFFE0]  }
0x42: {  	v10 =	vld [tilespmem:s31+$0x0]  }
0x43: {  	v8 =	vld [tilespmem:s31+$0x10]  }
0x44: {  	v7 =	vld [tilespmem:s31+$0x20]  }
0x45: {  	v12 =	vld [tilespmem:s31+$0xFFFFFFC0];
	_ =	sdelay $0x1  }
0x46: {  	v15 =	vshrl.u32 v14, $0x5  }
0x47: {  	v13 =	vshrl.u32 v11, $0x14;
	v16 =	vshrl.u32 v11, $0x5;
	v19 =	vshrl.u32 v9, $0x5  }
0x48: {  	v18 =	vshrl.u32 v14, $0x14;
	v25 =	vshrl.u32 v10, $0x5;
	v28 =	vshrl.u32 v8, $0x5  }
0x49: {  	v29 =	vshrl.u32 v7, $0x5;
	v30 =	vshrl.u32 v12, $0x5;
	v26 =	vshrl.u32 v12, $0x14  }
0x4a: {  	v17 =	vand.u32 $0x7FF0, v15;
	vm0 =	veq.s32 v18, v5;
	v15 =	vand.u32 $0x7F80, v15  }
0x4b: {  	vm2 =	vgt.s32 v18, v5;
	vm1 =	vge.s32 v18, v5;
	v18 =	vand.u32 $0x7FF0, v16  }
0x4c: {  	v6 =	vld [tilespmem:s31+$0xFFFFFFF0];
	v21 =	vand.u32 $0x7FF0, v19;
	v23 =	vand.u32 $0x7FF0, v30;
	v24 =	vand.u32 $0x7FF0, v25  }
0x4d: {  	v27 =	vand.u32 $0x7FF0, v28;
	v30 =	vand.u32 $0x7F80, v30;
	vm3 =	vgt.s32 v13, v5  }
0x4e: {  	v16 =	vand.u32 $0x7F80, v16;
	v19 =	vand.u32 $0x7F80, v19;
	v17 =	vor.u32 v1, v17  }
0x4f: {  	v33 =	vor.u32 v1, v23;
	v35 =	vor.u32 v1, v18;
	v18 =	vand.u32 $0x7FF0, v29  }
0x50: {  	v36 =	vor.u32 v1, v21;
	v38 =	vor.u32 v1, v24;
	v39 =	vor.u32 v1, v27  }
0x51: {  	v27 =	vshrl.u32 v9, $0x14;
	v24 =	vshrl.u32 v6, $0x14;
	v23 =	vshrl.u32 v10, $0x14  }
0x52: {  	v20 =	vand.u32 $0x7F, v17;
	v17 =	vsel vm2, v4, v17;
	v21 =	vor.u32 v1, v18  }
0x53: {  	v31 =	vand.u32 $0x7F, v33;
	v18 =	vshrl.u32 v7, $0x14;
	v34 =	vand.u32 $0x7F, v35  }
0x54: {  	v40 =	vand.u32 $0x7F, v36;
	v42 =	vand.u32 $0x7F, v38;
	v43 =	vand.u32 $0x7F, v39  }
0x55: {  	vm2 =	vgt.s32 v26, v5;
	vm4 =	vgt.s32 v27, v5;
	vm5 =	vgt.s32 v24, v5  }
0x56: {  	vm6 =	vgt.s32 v23, v5;
	v15 =	vor.u32 v15, v20;
	v20 =	vshrl.u32 v6, $0x5  }
0x57: {  	v44 =	vand.u32 $0x7F, v21;
	v32 =	vor.u32 v30, v31;
	v22 =	vand.u32 $0x7FF0, v20  }
0x58: {  	v31 =	vor.u32 v16, v34;
	v30 =	vor.u32 v19, v40;
	v37 =	vor.u32 v1, v22  }
0x59: {  	v34 =	vsel vm2, v4, v33;
	v20 =	vand.u32 $0x7F80, v20;
	v41 =	vand.u32 $0x7F, v37  }
0x5a: {  	v33 =	vsel vm3, v4, v35;
	v22 =	vshrl.u32 v8, $0x14;
	v19 =	vor.u32 v20, v41  }
0x5b: {  	v20 =	vsel vm6, v4, v38;
	[tilespmem:v15+s10+$0x0] =	vst.idx.add.s32.msk vm0, v3;
	v15 =	vand.u32 $0x7F80, v25;
	vm0 =	vgt.s32 v22, v5  }
0x5c: {  	v25 =	vand.u32 $0x7F80, v28;
	[tilespmem:v17+s11+$0x0] =	vst.idx.add.f32.msk vm1, v14;
	vm1 =	vgt.s32 v18, v5;
	v14 =	vand.u32 $0x7F80, v29  }
0x5d: {  	v16 =	vor.u32 v15, v42;
	v15 =	vor.u32 v25, v43;
	v29 =	vsel vm4, v4, v36  }
0x5e: {  	s18 =	simm.s32 $0x0;
	s19 =	sadd.s32 $0x400, s31;
	v25 =	vsel vm5, v4, v37;
	v17 =	vsel vm0, v4, v39;
	v14 =	vor.u32 v14, v44  }
.LBB2_8:
0x5f: {  	v35 =	vld [tilespmem:s19+$0x30];
	vm13 =	veq.s32 v26, v5;
	vm11 =	vge.s32 v26, v5;
	v28 =	vsel vm1, v4, v21  }
0x60: {  	s18 =	sadd.s32 $0x8, s18;
	vm12 =	veq.s32 v13, v5;
	vm10 =	vge.s32 v13, v5;
	vm9 =	veq.s32 v27, v5;
	v21 =	vld [tilespmem:s19+$0xFFFFFFD0]  }
0x61: {  	vm8 =	vge.s32 v27, v5;
	vm7 =	veq.s32 v24, v5;
	vm6 =	vge.s32 v24, v5;
	p0 =	slt.u32 s18, $0x38;
	v36 =	vld [tilespmem:s19+$0xFFFFFFE0]  }
0x62: {  	vm5 =	veq.s32 v23, v5;
	vm4 =	vge.s32 v23, v5;
	vm3 =	veq.s32 v22, v5;
	v37 =	vld [tilespmem:s19+$0xFFFFFFF0]  }
0x63: {  	vm2 =	vge.s32 v22, v5;
	vm1 =	veq.s32 v18, v5;
	vm0 =	vge.s32 v18, v5;
	v38 =	vld [tilespmem:s19+$0x0]  }
0x64: {  	v39 =	vld [tilespmem:s19+$0x10];
	v18 =	vshrl.u32 v35, $0x5  }
0x65: {  	v13 =	vshrl.u32 v21, $0x14;
	v40 =	vshrl.u32 v21, $0x5;
	v41 =	vld [tilespmem:s19+$0x20];
	v22 =	vand.u32 $0x7FF0, v18  }
0x66: {  	v24 =	vshrl.u32 v35, $0x14;
	v23 =	vld [tilespmem:s19+$0xFFFFFFC0];
	v42 =	vshrl.u32 v36, $0x5;
	v22 =	vor.u32 v1, v22  }
0x67: {  	vm14 =	veq.s32 v24, v5;
	v18 =	vand.u32 $0x7F80, v18;
	v26 =	vand.u32 $0x7F, v22;
	[tilespmem:v32+s10+$0x0] =	vst.idx.add.s32.msk vm13, v3  }
0x68: {  	vm15 =	vge.s32 v24, v5;
	vm13 =	vgt.s32 v24, v5;
	v18 =	vor.u32 v18, v26  }
0x69: {  	v32 =	vshrl.u32 v37, $0x5;
	v43 =	vshrl.u32 v38, $0x5;
	v22 =	vsel vm13, v4, v22;
	[tilespmem:v34+s11+$0x0] =	vst.idx.add.f32.msk vm11, v12  }
0x6a: {  	v24 =	vand.u32 $0x7FF0, v40;
	v34 =	vshrl.u32 v39, $0x5;
	v44 =	vshrl.u32 v41, $0x5;
	[tilespmem:v31+s10+$0x0] =	vst.idx.add.s32.msk vm12, v3  }
0x6b: {  	v27 =	vand.u32 $0x7FF0, v42;
	v45 =	vand.u32 $0x7FF0, v32;
	v31 =	vshrl.u32 v23, $0x5;
	[tilespmem:v33+s11+$0x0] =	vst.idx.add.f32.msk vm10, v11;
	v11 =	vmovc v21;
	v12 =	vmovc v23  }
0x6c: {  	v23 =	vand.u32 $0x7FF0, v43;
	v33 =	vand.u32 $0x7FF0, v34;
	v21 =	vand.u32 $0x7FF0, v31;
	[tilespmem:v30+s10+$0x0] =	vst.idx.add.s32.msk vm9, v3  }
0x6d: {  	v47 =	vor.u32 v1, v24;
	v46 =	vor.u32 v1, v21;
	v21 =	vand.u32 $0x7FF0, v44;
	[tilespmem:v18+s10+$0x0] =	vst.idx.add.s32.msk vm14, v3  }
0x6e: {  	v48 =	vor.u32 v1, v27;
	v45 =	vor.u32 v1, v45;
	v26 =	vshrl.u32 v12, $0x14;
	[tilespmem:v22+s11+$0x0] =	vst.idx.add.f32.msk vm15, v35  }
0x6f: {  	v49 =	vor.u32 v1, v33;
	v35 =	vor.u32 v1, v23;
	v21 =	vor.u32 v1, v21  }
0x70: {  	v27 =	vshrl.u32 v36, $0x14;
	v24 =	vshrl.u32 v37, $0x14;
	v23 =	vshrl.u32 v38, $0x14;
	[tilespmem:v29+s11+$0x0] =	vst.idx.add.f32.msk vm8, v9;
	v9 =	vmovc v36  }
0x71: {  	v18 =	vshrl.u32 v41, $0x14;
	v22 =	vshrl.u32 v39, $0x14;
	v29 =	vand.u32 $0x7F, v46;
	[tilespmem:v19+s10+$0x0] =	vst.idx.add.s32.msk vm7, v3  }
0x72: {  	v30 =	vand.u32 $0x7F, v48;
	v33 =	vand.u32 $0x7F, v45;
	v19 =	vand.u32 $0x7F, v47;
	[tilespmem:v25+s11+$0x0] =	vst.idx.add.f32.msk vm6, v6;
	v6 =	vmovc v37  }
0x73: {  	v36 =	vand.u32 $0x7F, v49;
	v25 =	vand.u32 $0x7F, v35;
	v37 =	vand.u32 $0x7F, v21;
	[tilespmem:v16+s10+$0x0] =	vst.idx.add.s32.msk vm5, v3  }
0x74: {  	vm6 =	vgt.s32 v13, v5;
	vm5 =	vgt.s32 v26, v5;
	v16 =	vand.u32 $0x7F80, v31;
	[tilespmem:v20+s11+$0x0] =	vst.idx.add.f32.msk vm4, v10  }
0x75: {  	v20 =	vand.u32 $0x7F80, v40;
	vm4 =	vgt.s32 v27, v5;
	v40 =	vand.u32 $0x7F80, v42;
	v10 =	vmovc v38;
	[tilespmem:v15+s10+$0x0] =	vst.idx.add.s32.msk vm3, v3  }
0x76: {  	vm7 =	vgt.s32 v23, v5;
	vm3 =	vgt.s32 v24, v5;
	v15 =	vand.u32 $0x7F80, v32;
	[tilespmem:v17+s11+$0x0] =	vst.idx.add.f32.msk vm2, v8  }
0x77: {  	v34 =	vand.u32 $0x7F80, v34;
	v17 =	vand.u32 $0x7F80, v43;
	vm2 =	vgt.s32 v22, v5;
	v8 =	vmovc v39;
	[tilespmem:v14+s10+$0x0] =	vst.idx.add.s32.msk vm1, v3  }
.Ltmp2:
0x78: {  	v32 =	vor.u32 v16, v29;
	vm1 =	vgt.s32 v18, v5;
	v14 =	vand.u32 $0x7F80, v44;
	[tilespmem:v28+s11+$0x0] =	vst.idx.add.f32.msk vm0, v7;
	(pc) =	sbr.rel @p0 .LBB2_8-.Ltmp2, $4  }
0x79: {  	v31 =	vor.u32 v20, v19;
	v30 =	vor.u32 v40, v30;
	v19 =	vor.u32 v15, v33;
	v7 =	vmovc v41  }
0x7a: {  	v15 =	vor.u32 v34, v36;
	v16 =	vor.u32 v17, v25;
	v14 =	vor.u32 v14, v37  }
0x7b: {  	v29 =	vsel vm4, v4, v48;
	v34 =	vsel vm5, v4, v46;
	v33 =	vsel vm6, v4, v47  }
0x7c: {  	s19 =	sadd.s32 $0x400, s19;
	v20 =	vsel vm7, v4, v35;
	v25 =	vsel vm3, v4, v45;
	v17 =	vsel vm2, v4, v49  }
0x7d: {  	vm0 =	veq.s32 v26, v5  }
0x7e: {  	vm3 =	veq.s32 v13, v5  }
0x7f: {  	vm5 =	veq.s32 v27, v5  }
0x80: {  	vm7 =	veq.s32 v24, v5  }
0x81: {  	vm10 =	veq.s32 v23, v5  }
0x82: {  	vm12 =	veq.s32 v22, v5  }
0x83: {  	vm14 =	veq.s32 v18, v5;
	[tilespmem:v32+s10+$0x0] =	vst.idx.add.s32.msk vm0, v3  }
0x84: {  	vm2 =	vge.s32 v26, v5;
	[tilespmem:v31+s10+$0x0] =	vst.idx.add.s32.msk vm3, v3  }
0x85: {  	vm9 =	vge.s32 v24, v5;
	[tilespmem:v30+s10+$0x0] =	vst.idx.add.s32.msk vm5, v3  }
0x86: {  	vm4 =	vge.s32 v13, v5;
	[tilespmem:v19+s10+$0x0] =	vst.idx.add.s32.msk vm7, v3  }
0x87: {  	vm6 =	vge.s32 v27, v5;
	[tilespmem:v16+s10+$0x0] =	vst.idx.add.s32.msk vm10, v3  }
0x88: {  	vm11 =	vge.s32 v23, v5;
	[tilespmem:v15+s10+$0x0] =	vst.idx.add.s32.msk vm12, v3  }
0x89: {  	vm13 =	vge.s32 v22, v5;
	[tilespmem:v14+s10+$0x0] =	vst.idx.add.s32.msk vm14, v3  }
0x8a: {  	vm15 =	vge.s32 v18, v5;
	s17 =	sadd.s32 $0x1, s17;
	[tilespmem:v34+s11+$0x0] =	vst.idx.add.f32.msk vm2, v12  }
0x8b: {  	p0 =	sne.s32 s17, $0x20;
	[tilespmem:v25+s11+$0x0] =	vst.idx.add.f32.msk vm9, v6;
	v6 =	vsel vm1, v4, v21  }
.Ltmp3:
0x8c: {  	[tilespmem:v33+s11+$0x0] =	vst.idx.add.f32.msk vm4, v11;
	(pc) =	sbr.rel @p0 .LBB2_7-.Ltmp3, $4  }
0x8d: {  	[tilespmem:v29+s11+$0x0] =	vst.idx.add.f32.msk vm6, v9  }
0x8e: {  	[tilespmem:v20+s11+$0x0] =	vst.idx.add.f32.msk vm11, v10  }
0x8f: {  	[tilespmem:v17+s11+$0x0] =	vst.idx.add.f32.msk vm13, v8  }
0x90: {  	s16 =	sadd.s32 $0x400, s16;
	s15 =	sadd.s32 $0x1, s15;
	[tilespmem:v6+s11+$0x0] =	vst.idx.add.f32.msk vm15, v7  }
0x91: {  	s14 =	sadd.s32 $0x1, s14  }
0x92: {  	p0 =	sne.s32 s14, $0x4  }
.Ltmp4:
0x93: {  	_ = 	snop;
	(pc) =	sbr.rel @p0 .LBB2_6-.Ltmp4, $1  }
0x94: {  	_ =	sdelay $0x3  }
0x95: {  	[hbm4b:s5+s3] =	stream.linear.scatter [tilespmem:s10], [sflag:$0x1], $0x8000, $0x38;
	[tilespmem:$0x18100] =	vst v63  }
0x96: {  	s12 =	sadd.s32 $0x1, s12;
	_ =	swait.ge [sflag:s9], $0x8000  }
0x97: {  	p0 =	sne.s32 s12, s7;
	[sflag:s9] =	ssyncset.done $0x0  }
.Ltmp5:
0x98: {  	[sflag:s9] =	ssyncadd.s32 $0xFFFF8000;
	(pc) =	sbr.rel @p0 .LBB2_1-.Ltmp5, $4  }
0x99: {  	[hbm4b:s6+s3] =	stream.linear.scatter [tilespmem:s11], [sflag:$0x1], $0x8010, $0x38;
	[tilespmem:$0x18100] =	vst v63  }
0x9a: {  	_ =	swait.ge [sflag:s9], $0x8010  }
0x9b: {  	[sflag:s9] =	ssyncset.done $0x0  }
0x9c: {  	[sflag:s9] =	ssyncadd.s32 $0xFFFF7FF0  }
0x9d: {  	_ =	sfence.sel $0x180000  }
0x9e: {  	[bflag:$0x0] =	sbarrier.arrive $0xFFFF  }
0x9f: {  	p0 =	sne.s32 s0, $0x0;
	_ =	strace $0x9000004A  }
0xa0: {  	s0 =	sadd.s32 @!p0 $0x100000, s1;
	[bflag:$0x2] =	sbarrier.arrive $0xFFFF  }
0xa1: {  	[sflag:s0] =	ssyncadd.tile.s32 @!p0 $0x1;
	_ =	shalt  }
.Lfunc_end2:
_tile_overlayer_lowered:
.L_overlay_start_2:
0xa2: {  	(tag) =	ssettag $0x2  }
0xa3: {  	s0 =	rddreg [dreg:$0x0];
	s2 =	stileid.u32  }
0xa4: {  	s1 =	rddreg [dreg:$0x1];
	p0 =	sne.s32 s2, $0x0  }
0xa5: {  	s3 =	rddreg [dreg:$0x2];
	[bflag:$0x3] =	sbarrier.arrive $0xFFFF;
	s2 =	simm.s32 @!p0 $0x1C01  }
0xa6: {  	[timem:s3], [sflag:s2] =	dma.local @!p0 [hbm:s0], s1  }
0xa7: {  	s0 =	simm.s32 @!p0 $0x1  }
0xa8: {  	_ =	swait.ge @!p0 [sflag:s0], s1  }
0xa9: {  	s1 =	ssub.s32 @!p0 $0x0, s1;
	[sflag:s0] =	ssyncset.done @!p0 $0x0  }
0xaa: {  	[sflag:s0] =	ssyncadd.s32 @!p0 s1  }
0xab: {  	[bflag:$0x3] =	sbarrier.arrive $0xFFFF  }
0xac: {  	_ =	shalt  }

</sc_bundles>
